<compile_context>
chip_gen: v7x
topology: tpu7x:2x2x1
jax: 0.10.2.dev20260603
libtpu: 0.0.44.dev20260713+nightly
codegen_flags: <defaults>
</compile_context>

<pallas_src>
import functools

import jax
import jax.numpy as jnp
from jax import lax
from jax.experimental import pallas as pl
from jax.experimental.pallas import tpu as pltpu
from jax.experimental.pallas import tpu_sc as plsc

_B = 4096
_T = 2
_C = 10
_NC = 2
_NS = 16
_L = 16
_NW = _NC * _NS
_RPW = _B // _NW
_CHUNKS = _RPW // _L


def _sc_body(phi_hbm, w_hbm, out_hbm, pv, wv, ov):
    wid = lax.axis_index("s") * _NC + lax.axis_index("c")
    pltpu.sync_copy(phi_hbm.at[pl.ds(wid * _RPW, _RPW), :, :], pv)
    pltpu.sync_copy(w_hbm, wv)
    lane = lax.iota(jnp.int32, _L)
    pair_off = lane * 2
    for chunk in range(_CHUNKS):
        rows = lane + chunk * _L
        d = jnp.zeros((_L,), jnp.float32)
        for c in range(6):
            cv = jnp.full((_L,), c, jnp.int32)
            left = plsc.load_gather(pv, [rows, jnp.zeros((_L,), jnp.int32), cv])
            right = plsc.load_gather(pv, [rows, jnp.ones((_L,), jnp.int32), cv])
            d = d + (left - right) * wv[c]
        s = 1.0 / (1.0 + jnp.exp(-d))
        oidx = pair_off + chunk * _L * 2
        plsc.store_scatter(ov, [oidx], s)
        plsc.store_scatter(ov, [oidx + 1], 1.0 - s)
    pltpu.sync_copy(ov, out_hbm.at[pl.ds(wid * (_RPW * 2), _RPW * 2)])


@functools.lru_cache(maxsize=1)
def _sc_call():
    mesh = plsc.VectorSubcoreMesh(core_axis_name="c", subcore_axis_name="s")
    return pl.kernel(
        _sc_body,
        mesh=mesh,
        compiler_params=pltpu.CompilerParams(needs_layout_passes=False),
        out_type=jax.ShapeDtypeStruct((_B * 2,), jnp.float32),
        scratch_types=[
            pltpu.VMEM((_RPW, _T, _C), jnp.float32),
            pltpu.VMEM((6, _L), jnp.float32),
            pltpu.VMEM((_RPW * 2,), jnp.float32),
        ],
    )


def kernel(phi, succ_feats, W):
    del succ_feats
    wsp = jnp.broadcast_to(W.astype(jnp.float32).reshape(6, 1), (6, _L))
    out = _sc_call()(phi, wsp)
    return out.astype(jnp.float64).reshape(_B, 2, 1)

# --- scband reference (transcript-rebuilt; emitter-appended) ---
"""Pipeline reference for scband-reward-function-er-89885075571149 (READ-ONLY COPY).

The authoritative reference and input builder live on the scoring server;
editing this copy changes nothing except your own understanding.
"""

import jax, jax.numpy as jnp
import numpy as np
jax.config.update("jax_enable_x64", True)

SUCC = [[[[0.1,0.2,0.3,0.4,0.5,0.6],[0.2,0.3,0.4,0.5,0.6,0.7]],[[0.3,0.4,0.5,0.6,0.7,0.8],[0.4,0.5,0.6,0.7,0.8,0.9]]],[[[0.5,0.6,0.7,0.8,0.9,1.0],[0.6,0.7,0.8,0.9,1.0,1.1]],[[0.7,0.8,0.9,1.0,1.1,1.2],[0.8,0.9,1.0,1.1,1.2,1.3]]],[[[0.9,1.0,1.1,1.2,1.3,1.4],[1.0,1.1,1.2,1.3,1.4,1.5]],[[1.1,1.2,1.3,1.4,1.5,1.6],[1.2,1.3,1.4,1.5,1.6,1.7]]],[[[1.3,1.4,1.5,1.6,1.7,1.8],[1.4,1.5,1.6,1.7,1.8,1.9]],[[1.5,1.6,1.7,1.8,1.9,2.0],[1.6,1.7,1.8,1.9,2.0,2.1]]]]


def setup_inputs(seed: int = 0) -> dict:
    key = jax.random.key(seed)
    k1, k2 = jax.random.split(key)
    phi = jax.random.uniform(k1, (4096, 2, 10), dtype=jnp.float32)
    succ_feats = jnp.array(SUCC, dtype=jnp.float64)
    # torch.nn.Linear(6, 1, bias=False).double() weight, shape [1, 6]
    W = jax.random.normal(k2, (1, 6), dtype=jnp.float64) * 0.1
    return {"phi": phi, "succ_feats": succ_feats, "W": W}


def reference(phi, succ_feats, W):
    phi = phi.astype(jnp.float64)
    # pr = squeeze(linear1(phi[:, :, 0:6]))  -> [B, T]
    pr = jnp.squeeze(phi[:, :, 0:6] @ W.T, axis=-1)
    # NOTE: original code assigns ss_x twice; the effective index is channel 7,
    # and get_vals is called as get_vals(ss_x, ss_x) (x == y).
    ss_x = jax.lax.stop_gradient(phi[:, :, 7]).astype(jnp.int32)  # [B, T]
    # get_vals vectorized: succ_feats[i][x][y] for every i, then linear1, then max over i.
    gathered = succ_feats[:, ss_x, ss_x, :]  # [n_succ, B, T, 6]
    vs = jnp.einsum('nbtf,f->nbt', gathered, W[0])  # linear1 per succ feature
    v_ss = jnp.max(vs, axis=0)  # [B, T]; computed but unused, as in the original forward
    left_pr = pr[:, 0:1]
    right_pr = pr[:, 1:2]
    left_pred = jax.nn.sigmoid(left_pr - right_pr)
    right_pred = jax.nn.sigmoid(right_pr - left_pr)
    phi_logit = jnp.stack([left_pred, right_pred], axis=1)  # [B, 2, 1]
    return phi_logit

if __name__ == "__main__":
    import jax
    _d = setup_inputs()
    print(jax.jit(kernel)(*tuple(_d.values())))

</pallas_src>

<mosaic_0001>
#map = affine_map<(d0, d1) -> (0, 0, 0)>
#map1 = affine_map<(d0, d1) -> (0, 0)>
#map2 = affine_map<(d0, d1) -> (0)>
module attributes {stable_mosaic.version = 14 : i64} {
  func.func @_sc_body(%arg0: i32, %arg1: i32, %arg2: memref<4096x2x10xf32, #tpu.memory_space<hbm>>, %arg3: memref<6x16xf32, #tpu.memory_space<hbm>>, %arg4: memref<8192xf32, #tpu.memory_space<hbm>>, %arg5: memref<128x2x10xf32, #tpu.memory_space<vmem>>, %arg6: memref<6x16xf32, #tpu.memory_space<vmem>>, %arg7: memref<256xf32, #tpu.memory_space<vmem>>) attributes {dimension_semantics = [#tpu.dimension_semantics<core_parallel>, #tpu.dimension_semantics<subcore_parallel>], iteration_bounds = array<i64: 2, 16>, scalar_prefetch = 0 : i64, scratch_operands = 3 : i64, tpu.core_type = #tpu.core_type<sc_vector_subcore>, window_params = [{transform_indices = #map}, {transform_indices = #map1}, {transform_indices = #map2}]} {
    %mul3A = arith.constant 2 : i32
    %mul3A_0 = arith.muli %arg1, %mul3A : i32
    %add3A = arith.addi %mul3A_0, %arg0 : i32
    %mul3A_1 = arith.constant 128 : i32
    %mul3A_2 = arith.muli %add3A, %mul3A_1 : i32
    "tpu.region"() ({
      %run_scoped3A = tpu.sem_alloc : memref<!tpu.dma_semaphore, #tpu.memory_space<semaphore_mem>>
      %dma_start3A = arith.constant 0 : i32
      %dma_start3A_913 = arith.constant 0 : i32
      %dma_start3A_914 = tpu.memref_slice %arg2[%mul3A_2, %dma_start3A, %dma_start3A_913] : memref<4096x2x10xf32, #tpu.memory_space<hbm>> -> memref<128x2x10xf32, #tpu.memory_space<hbm>>
      %dma_start3A_915 = arith.constant 0 : i32
      %dma_start3A_916 = arith.constant 0 : i32
      %dma_start3A_917 = tpu.memref_slice %arg2[%mul3A_2, %dma_start3A_915, %dma_start3A_916] : memref<4096x2x10xf32, #tpu.memory_space<hbm>> -> memref<128x2x10xf32, #tpu.memory_space<hbm>>
      tpu.enqueue_dma source(%dma_start3A_917 : memref<128x2x10xf32, #tpu.memory_space<hbm>>) target(%arg5 : memref<128x2x10xf32, #tpu.memory_space<vmem>>) target_semaphore(%run_scoped3A : memref<!tpu.dma_semaphore, #tpu.memory_space<semaphore_mem>>)
      %dma_wait3A = arith.constant 0 : i32
      %dma_wait3A_918 = arith.constant 0 : i32
      %dma_wait3A_919 = tpu.memref_slice %arg2[%mul3A_2, %dma_wait3A, %dma_wait3A_918] : memref<4096x2x10xf32, #tpu.memory_space<hbm>> -> memref<128x2x10xf32, #tpu.memory_space<hbm>>
      %dma_wait3A_920 = arith.constant 0 : i32
      %dma_wait3A_921 = arith.constant 0 : i32
      %dma_wait3A_922 = tpu.memref_slice %arg2[%mul3A_2, %dma_wait3A_920, %dma_wait3A_921] : memref<4096x2x10xf32, #tpu.memory_space<hbm>> -> memref<128x2x10xf32, #tpu.memory_space<hbm>>
      tpu.wait_dma2 semaphore(%run_scoped3A : memref<!tpu.dma_semaphore, #tpu.memory_space<semaphore_mem>>) src(%dma_wait3A_922 : memref<128x2x10xf32, #tpu.memory_space<hbm>>) dst(%arg5 : memref<128x2x10xf32, #tpu.memory_space<vmem>>)
      tpu.yield
    }) : () -> ()
    "tpu.region"() ({
      %run_scoped3A = tpu.sem_alloc : memref<!tpu.dma_semaphore, #tpu.memory_space<semaphore_mem>>
      tpu.enqueue_dma source(%arg3 : memref<6x16xf32, #tpu.memory_space<hbm>>) target(%arg6 : memref<6x16xf32, #tpu.memory_space<vmem>>) target_semaphore(%run_scoped3A : memref<!tpu.dma_semaphore, #tpu.memory_space<semaphore_mem>>)
      tpu.wait_dma2 semaphore(%run_scoped3A : memref<!tpu.dma_semaphore, #tpu.memory_space<semaphore_mem>>) src(%arg3 : memref<6x16xf32, #tpu.memory_space<hbm>>) dst(%arg6 : memref<6x16xf32, #tpu.memory_space<vmem>>)
      tpu.yield
    }) : () -> ()
    %iota3A = tpu.iota {dimensions = array<i32: 0>} : vector<16xi32>
    %mul3A_3 = arith.constant 2 : i32
    %mul3A_4 = vector.broadcast %mul3A_3 : i32 to vector<16xi32>
    %mul3A_5 = arith.muli %iota3A, %mul3A_4 : vector<16xi32>
    %add3A_6 = arith.constant 0 : i32
    %add3A_7 = vector.broadcast %add3A_6 : i32 to vector<16xi32>
    %add3A_8 = arith.addi %iota3A, %add3A_7 : vector<16xi32>
    %broadcast_in_dim3A = arith.constant 0.000000e+00 : f32
    %broadcast_in_dim3A_9 = vector.broadcast %broadcast_in_dim3A : f32 to vector<16xf32>
    %broadcast_in_dim3A_10 = arith.constant 0 : i32
    %broadcast_in_dim3A_11 = vector.broadcast %broadcast_in_dim3A_10 : i32 to vector<16xi32>
    %broadcast_in_dim3A_12 = arith.constant 0 : i32
    %broadcast_in_dim3A_13 = vector.broadcast %broadcast_in_dim3A_12 : i32 to vector<16xi32>
    %gather3A = tpu.vector_load_idx %arg5[%add3A_8, %broadcast_in_dim3A_13, %broadcast_in_dim3A_11] : memref<128x2x10xf32, #tpu.memory_space<vmem>>[vector<16xi32>, vector<16xi32>, vector<16xi32>], vector<16xf32>,
    %broadcast_in_dim3A_14 = arith.constant 1 : i32
    %broadcast_in_dim3A_15 = vector.broadcast %broadcast_in_dim3A_14 : i32 to vector<16xi32>
    %gather3A_16 = tpu.vector_load_idx %arg5[%add3A_8, %broadcast_in_dim3A_15, %broadcast_in_dim3A_11] : memref<128x2x10xf32, #tpu.memory_space<vmem>>[vector<16xi32>, vector<16xi32>, vector<16xi32>], vector<16xf32>,
    %sub3A = arith.subf %gather3A, %gather3A_16 : vector<16xf32>
    %get3A = arith.constant 0 : i64
    %get3A_17 = arith.index_cast %get3A : i64 to index
    %get3A_18 = arith.constant 0 : index
    %get3A_19 = tpu.vector_load %arg6[%get3A_17, %get3A_18] {strides = array<i32>} : memref<6x16xf32, #tpu.memory_space<vmem>>, vector<16xf32>,
    %mul3A_20 = arith.mulf %sub3A, %get3A_19 : vector<16xf32>
    %add3A_21 = arith.addf %broadcast_in_dim3A_9, %mul3A_20 : vector<16xf32>
    %broadcast_in_dim3A_22 = arith.constant 1 : i32
    %broadcast_in_dim3A_23 = vector.broadcast %broadcast_in_dim3A_22 : i32 to vector<16xi32>
    %broadcast_in_dim3A_24 = arith.constant 0 : i32
    %broadcast_in_dim3A_25 = vector.broadcast %broadcast_in_dim3A_24 : i32 to vector<16xi32>
    %gather3A_26 = tpu.vector_load_idx %arg5[%add3A_8, %broadcast_in_dim3A_25, %broadcast_in_dim3A_23] : memref<128x2x10xf32, #tpu.memory_space<vmem>>[vector<16xi32>, vector<16xi32>, vector<16xi32>], vector<16xf32>,
    %broadcast_in_dim3A_27 = arith.constant 1 : i32
    %broadcast_in_dim3A_28 = vector.broadcast %broadcast_in_dim3A_27 : i32 to vector<16xi32>
    %gather3A_29 = tpu.vector_load_idx %arg5[%add3A_8, %broadcast_in_dim3A_28, %broadcast_in_dim3A_23] : memref<128x2x10xf32, #tpu.memory_space<vmem>>[vector<16xi32>, vector<16xi32>, vector<16xi32>], vector<16xf32>,
    %sub3A_30 = arith.subf %gather3A_26, %gather3A_29 : vector<16xf32>
    %get3A_31 = arith.constant 1 : i64
    %get3A_32 = arith.index_cast %get3A_31 : i64 to index
    %get3A_33 = arith.constant 0 : index
    %get3A_34 = tpu.vector_load %arg6[%get3A_32, %get3A_33] {strides = array<i32>} : memref<6x16xf32, #tpu.memory_space<vmem>>, vector<16xf32>,
    %mul3A_35 = arith.mulf %sub3A_30, %get3A_34 : vector<16xf32>
    %add3A_36 = arith.addf %add3A_21, %mul3A_35 : vector<16xf32>
    %broadcast_in_dim3A_37 = arith.constant 2 : i32
    %broadcast_in_dim3A_38 = vector.broadcast %broadcast_in_dim3A_37 : i32 to vector<16xi32>
    %broadcast_in_dim3A_39 = arith.constant 0 : i32
    %broadcast_in_dim3A_40 = vector.broadcast %broadcast_in_dim3A_39 : i32 to vector<16xi32>
    %gather3A_41 = tpu.vector_load_idx %arg5[%add3A_8, %broadcast_in_dim3A_40, %broadcast_in_dim3A_38] : memref<128x2x10xf32, #tpu.memory_space<vmem>>[vector<16xi32>, vector<16xi32>, vector<16xi32>], vector<16xf32>,
    %broadcast_in_dim3A_42 = arith.constant 1 : i32
    %broadcast_in_dim3A_43 = vector.broadcast %broadcast_in_dim3A_42 : i32 to vector<16xi32>
    %gather3A_44 = tpu.vector_load_idx %arg5[%add3A_8, %broadcast_in_dim3A_43, %broadcast_in_dim3A_38] : memref<128x2x10xf32, #tpu.memory_space<vmem>>[vector<16xi32>, vector<16xi32>, vector<16xi32>], vector<16xf32>,
    %sub3A_45 = arith.subf %gather3A_41, %gather3A_44 : vector<16xf32>
    %get3A_46 = arith.constant 2 : i64
    %get3A_47 = arith.index_cast %get3A_46 : i64 to index
    %get3A_48 = arith.constant 0 : index
    %get3A_49 = tpu.vector_load %arg6[%get3A_47, %get3A_48] {strides = array<i32>} : memref<6x16xf32, #tpu.memory_space<vmem>>, vector<16xf32>,
    %mul3A_50 = arith.mulf %sub3A_45, %get3A_49 : vector<16xf32>
    %add3A_51 = arith.addf %add3A_36, %mul3A_50 : vector<16xf32>
    %broadcast_in_dim3A_52 = arith.constant 3 : i32
    %broadcast_in_dim3A_53 = vector.broadcast %broadcast_in_dim3A_52 : i32 to vector<16xi32>
    %broadcast_in_dim3A_54 = arith.constant 0 : i32
    %broadcast_in_dim3A_55 = vector.broadcast %broadcast_in_dim3A_54 : i32 to vector<16xi32>
    %gather3A_56 = tpu.vector_load_idx %arg5[%add3A_8, %broadcast_in_dim3A_55, %broadcast_in_dim3A_53] : memref<128x2x10xf32, #tpu.memory_space<vmem>>[vector<16xi32>, vector<16xi32>, vector<16xi32>], vector<16xf32>,
    %broadcast_in_dim3A_57 = arith.constant 1 : i32
    %broadcast_in_dim3A_58 = vector.broadcast %broadcast_in_dim3A_57 : i32 to vector<16xi32>
    %gather3A_59 = tpu.vector_load_idx %arg5[%add3A_8, %broadcast_in_dim3A_58, %broadcast_in_dim3A_53] : memref<128x2x10xf32, #tpu.memory_space<vmem>>[vector<16xi32>, vector<16xi32>, vector<16xi32>], vector<16xf32>,
    %sub3A_60 = arith.subf %gather3A_56, %gather3A_59 : vector<16xf32>
    %get3A_61 = arith.constant 3 : i64
    %get3A_62 = arith.index_cast %get3A_61 : i64 to index
    %get3A_63 = arith.constant 0 : index
    %get3A_64 = tpu.vector_load %arg6[%get3A_62, %get3A_63] {strides = array<i32>} : memref<6x16xf32, #tpu.memory_space<vmem>>, vector<16xf32>,
    %mul3A_65 = arith.mulf %sub3A_60, %get3A_64 : vector<16xf32>
    %add3A_66 = arith.addf %add3A_51, %mul3A_65 : vector<16xf32>
    %broadcast_in_dim3A_67 = arith.constant 4 : i32
    %broadcast_in_dim3A_68 = vector.broadcast %broadcast_in_dim3A_67 : i32 to vector<16xi32>
    %broadcast_in_dim3A_69 = arith.constant 0 : i32
    %broadcast_in_dim3A_70 = vector.broadcast %broadcast_in_dim3A_69 : i32 to vector<16xi32>
    %gather3A_71 = tpu.vector_load_idx %arg5[%add3A_8, %broadcast_in_dim3A_70, %broadcast_in_dim3A_68] : memref<128x2x10xf32, #tpu.memory_space<vmem>>[vector<16xi32>, vector<16xi32>, vector<16xi32>], vector<16xf32>,
    %broadcast_in_dim3A_72 = arith.constant 1 : i32
    %broadcast_in_dim3A_73 = vector.broadcast %broadcast_in_dim3A_72 : i32 to vector<16xi32>
    %gather3A_74 = tpu.vector_load_idx %arg5[%add3A_8, %broadcast_in_dim3A_73, %broadcast_in_dim3A_68] : memref<128x2x10xf32, #tpu.memory_space<vmem>>[vector<16xi32>, vector<16xi32>, vector<16xi32>], vector<16xf32>,
    %sub3A_75 = arith.subf %gather3A_71, %gather3A_74 : vector<16xf32>
    %get3A_76 = arith.constant 4 : i64
    %get3A_77 = arith.index_cast %get3A_76 : i64 to index
    %get3A_78 = arith.constant 0 : index
    %get3A_79 = tpu.vector_load %arg6[%get3A_77, %get3A_78] {strides = array<i32>} : memref<6x16xf32, #tpu.memory_space<vmem>>, vector<16xf32>,
    %mul3A_80 = arith.mulf %sub3A_75, %get3A_79 : vector<16xf32>
    %add3A_81 = arith.addf %add3A_66, %mul3A_80 : vector<16xf32>
    %broadcast_in_dim3A_82 = arith.constant 5 : i32
    %broadcast_in_dim3A_83 = vector.broadcast %broadcast_in_dim3A_82 : i32 to vector<16xi32>
    %broadcast_in_dim3A_84 = arith.constant 0 : i32
    %broadcast_in_dim3A_85 = vector.broadcast %broadcast_in_dim3A_84 : i32 to vector<16xi32>
    %gather3A_86 = tpu.vector_load_idx %arg5[%add3A_8, %broadcast_in_dim3A_85, %broadcast_in_dim3A_83] : memref<128x2x10xf32, #tpu.memory_space<vmem>>[vector<16xi32>, vector<16xi32>, vector<16xi32>], vector<16xf32>,
    %broadcast_in_dim3A_87 = arith.constant 1 : i32
    %broadcast_in_dim3A_88 = vector.broadcast %broadcast_in_dim3A_87 : i32 to vector<16xi32>
    %gather3A_89 = tpu.vector_load_idx %arg5[%add3A_8, %broadcast_in_dim3A_88, %broadcast_in_dim3A_83] : memref<128x2x10xf32, #tpu.memory_space<vmem>>[vector<16xi32>, vector<16xi32>, vector<16xi32>], vector<16xf32>,
    %sub3A_90 = arith.subf %gather3A_86, %gather3A_89 : vector<16xf32>
    %get3A_91 = arith.constant 5 : i64
    %get3A_92 = arith.index_cast %get3A_91 : i64 to index
    %get3A_93 = arith.constant 0 : index
    %get3A_94 = tpu.vector_load %arg6[%get3A_92, %get3A_93] {strides = array<i32>} : memref<6x16xf32, #tpu.memory_space<vmem>>, vector<16xf32>,
    %mul3A_95 = arith.mulf %sub3A_90, %get3A_94 : vector<16xf32>
    %add3A_96 = arith.addf %add3A_81, %mul3A_95 : vector<16xf32>
    %neg3A = arith.constant 0.000000e+00 : f32
    %neg3A_97 = vector.broadcast %neg3A : f32 to vector<16xf32>
    %neg3A_98 = arith.subf %neg3A_97, %add3A_96 : vector<16xf32>
    %exp3A = math.exp %neg3A_98 : vector<16xf32>
    %add3A_99 = arith.constant 1.000000e+00 : f32
    %add3A_100 = vector.broadcast %add3A_99 : f32 to vector<16xf32>
    %add3A_101 = arith.addf %add3A_100, %exp3A : vector<16xf32>
    %div3A = arith.constant 1.000000e+00 : f32
    %div3A_102 = vector.broadcast %div3A : f32 to vector<16xf32>
    %div3A_103 = arith.divf %div3A_102, %add3A_101 : vector<16xf32>
    %add3A_104 = arith.constant 0 : i32
    %add3A_105 = vector.broadcast %add3A_104 : i32 to vector<16xi32>
    %add3A_106 = arith.addi %mul3A_5, %add3A_105 : vector<16xi32>
    tpu.vector_store_idx %arg7[%add3A_106], %div3A_103 : memref<256xf32, #tpu.memory_space<vmem>>[vector<16xi32>], vector<16xf32>,
    %add3A_107 = arith.constant 1 : i32
    %add3A_108 = vector.broadcast %add3A_107 : i32 to vector<16xi32>
    %add3A_109 = arith.addi %add3A_106, %add3A_108 : vector<16xi32>
    %sub3A_110 = arith.constant 1.000000e+00 : f32
    %sub3A_111 = vector.broadcast %sub3A_110 : f32 to vector<16xf32>
    %sub3A_112 = arith.subf %sub3A_111, %div3A_103 : vector<16xf32>
    tpu.vector_store_idx %arg7[%add3A_109], %sub3A_112 : memref<256xf32, #tpu.memory_space<vmem>>[vector<16xi32>], vector<16xf32>,
    %add3A_113 = arith.constant 16 : i32
    %add3A_114 = vector.broadcast %add3A_113 : i32 to vector<16xi32>
    %add3A_115 = arith.addi %iota3A, %add3A_114 : vector<16xi32>
    %broadcast_in_dim3A_116 = arith.constant 0.000000e+00 : f32
    %broadcast_in_dim3A_117 = vector.broadcast %broadcast_in_dim3A_116 : f32 to vector<16xf32>
    %broadcast_in_dim3A_118 = arith.constant 0 : i32
    %broadcast_in_dim3A_119 = vector.broadcast %broadcast_in_dim3A_118 : i32 to vector<16xi32>
    %broadcast_in_dim3A_120 = arith.constant 0 : i32
    %broadcast_in_dim3A_121 = vector.broadcast %broadcast_in_dim3A_120 : i32 to vector<16xi32>
    %gather3A_122 = tpu.vector_load_idx %arg5[%add3A_115, %broadcast_in_dim3A_121, %broadcast_in_dim3A_119] : memref<128x2x10xf32, #tpu.memory_space<vmem>>[vector<16xi32>, vector<16xi32>, vector<16xi32>], vector<16xf32>,
    %broadcast_in_dim3A_123 = arith.constant 1 : i32
    %broadcast_in_dim3A_124 = vector.broadcast %broadcast_in_dim3A_123 : i32 to vector<16xi32>
    %gather3A_125 = tpu.vector_load_idx %arg5[%add3A_115, %broadcast_in_dim3A_124, %broadcast_in_dim3A_119] : memref<128x2x10xf32, #tpu.memory_space<vmem>>[vector<16xi32>, vector<16xi32>, vector<16xi32>], vector<16xf32>,
    %sub3A_126 = arith.subf %gather3A_122, %gather3A_125 : vector<16xf32>
    %get3A_127 = arith.constant 0 : i64
    %get3A_128 = arith.index_cast %get3A_127 : i64 to index
    %get3A_129 = arith.constant 0 : index
    %get3A_130 = tpu.vector_load %arg6[%get3A_128, %get3A_129] {strides = array<i32>} : memref<6x16xf32, #tpu.memory_space<vmem>>, vector<16xf32>,
    %mul3A_131 = arith.mulf %sub3A_126, %get3A_130 : vector<16xf32>
    %add3A_132 = arith.addf %broadcast_in_dim3A_117, %mul3A_131 : vector<16xf32>
    %broadcast_in_dim3A_133 = arith.constant 1 : i32
    %broadcast_in_dim3A_134 = vector.broadcast %broadcast_in_dim3A_133 : i32 to vector<16xi32>
    %broadcast_in_dim3A_135 = arith.constant 0 : i32
    %broadcast_in_dim3A_136 = vector.broadcast %broadcast_in_dim3A_135 : i32 to vector<16xi32>
    %gather3A_137 = tpu.vector_load_idx %arg5[%add3A_115, %broadcast_in_dim3A_136, %broadcast_in_dim3A_134] : memref<128x2x10xf32, #tpu.memory_space<vmem>>[vector<16xi32>, vector<16xi32>, vector<16xi32>], vector<16xf32>,
    %broadcast_in_dim3A_138 = arith.constant 1 : i32
    %broadcast_in_dim3A_139 = vector.broadcast %broadcast_in_dim3A_138 : i32 to vector<16xi32>
    %gather3A_140 = tpu.vector_load_idx %arg5[%add3A_115, %broadcast_in_dim3A_139, %broadcast_in_dim3A_134] : memref<128x2x10xf32, #tpu.memory_space<vmem>>[vector<16xi32>, vector<16xi32>, vector<16xi32>], vector<16xf32>,
    %sub3A_141 = arith.subf %gather3A_137, %gather3A_140 : vector<16xf32>
    %get3A_142 = arith.constant 1 : i64
    %get3A_143 = arith.index_cast %get3A_142 : i64 to index
    %get3A_144 = arith.constant 0 : index
    %get3A_145 = tpu.vector_load %arg6[%get3A_143, %get3A_144] {strides = array<i32>} : memref<6x16xf32, #tpu.memory_space<vmem>>, vector<16xf32>,
    %mul3A_146 = arith.mulf %sub3A_141, %get3A_145 : vector<16xf32>
    %add3A_147 = arith.addf %add3A_132, %mul3A_146 : vector<16xf32>
    %broadcast_in_dim3A_148 = arith.constant 2 : i32
    %broadcast_in_dim3A_149 = vector.broadcast %broadcast_in_dim3A_148 : i32 to vector<16xi32>
    %broadcast_in_dim3A_150 = arith.constant 0 : i32
    %broadcast_in_dim3A_151 = vector.broadcast %broadcast_in_dim3A_150 : i32 to vector<16xi32>
    %gather3A_152 = tpu.vector_load_idx %arg5[%add3A_115, %broadcast_in_dim3A_151, %broadcast_in_dim3A_149] : memref<128x2x10xf32, #tpu.memory_space<vmem>>[vector<16xi32>, vector<16xi32>, vector<16xi32>], vector<16xf32>,
    %broadcast_in_dim3A_153 = arith.constant 1 : i32
    %broadcast_in_dim3A_154 = vector.broadcast %broadcast_in_dim3A_153 : i32 to vector<16xi32>
    %gather3A_155 = tpu.vector_load_idx %arg5[%add3A_115, %broadcast_in_dim3A_154, %broadcast_in_dim3A_149] : memref<128x2x10xf32, #tpu.memory_space<vmem>>[vector<16xi32>, vector<16xi32>, vector<16xi32>], vector<16xf32>,
    %sub3A_156 = arith.subf %gather3A_152, %gather3A_155 : vector<16xf32>
    %get3A_157 = arith.constant 2 : i64
    %get3A_158 = arith.index_cast %get3A_157 : i64 to index
    %get3A_159 = arith.constant 0 : index
    %get3A_160 = tpu.vector_load %arg6[%get3A_158, %get3A_159] {strides = array<i32>} : memref<6x16xf32, #tpu.memory_space<vmem>>, vector<16xf32>,
    %mul3A_161 = arith.mulf %sub3A_156, %get3A_160 : vector<16xf32>
    %add3A_162 = arith.addf %add3A_147, %mul3A_161 : vector<16xf32>
    %broadcast_in_dim3A_163 = arith.constant 3 : i32
    %broadcast_in_dim3A_164 = vector.broadcast %broadcast_in_dim3A_163 : i32 to vector<16xi32>
    %broadcast_in_dim3A_165 = arith.constant 0 : i32
    %broadcast_in_dim3A_166 = vector.broadcast %broadcast_in_dim3A_165 : i32 to vector<16xi32>
    %gather3A_167 = tpu.vector_load_idx %arg5[%add3A_115, %broadcast_in_dim3A_166, %broadcast_in_dim3A_164] : memref<128x2x10xf32, #tpu.memory_space<vmem>>[vector<16xi32>, vector<16xi32>, vector<16xi32>], vector<16xf32>,
    %broadcast_in_dim3A_168 = arith.constant 1 : i32
    %broadcast_in_dim3A_169 = vector.broadcast %broadcast_in_dim3A_168 : i32 to vector<16xi32>
    %gather3A_170 = tpu.vector_load_idx %arg5[%add3A_115, %broadcast_in_dim3A_169, %broadcast_in_dim3A_164] : memref<128x2x10xf32, #tpu.memory_space<vmem>>[vector<16xi32>, vector<16xi32>, vector<16xi32>], vector<16xf32>,
    %sub3A_171 = arith.subf %gather3A_167, %gather3A_170 : vector<16xf32>
    %get3A_172 = arith.constant 3 : i64
    %get3A_173 = arith.index_cast %get3A_172 : i64 to index
    %get3A_174 = arith.constant 0 : index
    %get3A_175 = tpu.vector_load %arg6[%get3A_173, %get3A_174] {strides = array<i32>} : memref<6x16xf32, #tpu.memory_space<vmem>>, vector<16xf32>,
    %mul3A_176 = arith.mulf %sub3A_171, %get3A_175 : vector<16xf32>
    %add3A_177 = arith.addf %add3A_162, %mul3A_176 : vector<16xf32>
    %broadcast_in_dim3A_178 = arith.constant 4 : i32
    %broadcast_in_dim3A_179 = vector.broadcast %broadcast_in_dim3A_178 : i32 to vector<16xi32>
    %broadcast_in_dim3A_180 = arith.constant 0 : i32
    %broadcast_in_dim3A_181 = vector.broadcast %broadcast_in_dim3A_180 : i32 to vector<16xi32>
    %gather3A_182 = tpu.vector_load_idx %arg5[%add3A_115, %broadcast_in_dim3A_181, %broadcast_in_dim3A_179] : memref<128x2x10xf32, #tpu.memory_space<vmem>>[vector<16xi32>, vector<16xi32>, vector<16xi32>], vector<16xf32>,
    %broadcast_in_dim3A_183 = arith.constant 1 : i32
    %broadcast_in_dim3A_184 = vector.broadcast %broadcast_in_dim3A_183 : i32 to vector<16xi32>
    %gather3A_185 = tpu.vector_load_idx %arg5[%add3A_115, %broadcast_in_dim3A_184, %broadcast_in_dim3A_179] : memref<128x2x10xf32, #tpu.memory_space<vmem>>[vector<16xi32>, vector<16xi32>, vector<16xi32>], vector<16xf32>,
    %sub3A_186 = arith.subf %gather3A_182, %gather3A_185 : vector<16xf32>
    %get3A_187 = arith.constant 4 : i64
    %get3A_188 = arith.index_cast %get3A_187 : i64 to index
    %get3A_189 = arith.constant 0 : index
    %get3A_190 = tpu.vector_load %arg6[%get3A_188, %get3A_189] {strides = array<i32>} : memref<6x16xf32, #tpu.memory_space<vmem>>, vector<16xf32>,
    %mul3A_191 = arith.mulf %sub3A_186, %get3A_190 : vector<16xf32>
    %add3A_192 = arith.addf %add3A_177, %mul3A_191 : vector<16xf32>
    %broadcast_in_dim3A_193 = arith.constant 5 : i32
    %broadcast_in_dim3A_194 = vector.broadcast %broadcast_in_dim3A_193 : i32 to vector<16xi32>
    %broadcast_in_dim3A_195 = arith.constant 0 : i32
    %broadcast_in_dim3A_196 = vector.broadcast %broadcast_in_dim3A_195 : i32 to vector<16xi32>
    %gather3A_197 = tpu.vector_load_idx %arg5[%add3A_115, %broadcast_in_dim3A_196, %broadcast_in_dim3A_194] : memref<128x2x10xf32, #tpu.memory_space<vmem>>[vector<16xi32>, vector<16xi32>, vector<16xi32>], vector<16xf32>,
    %broadcast_in_dim3A_198 = arith.constant 1 : i32
    %broadcast_in_dim3A_199 = vector.broadcast %broadcast_in_dim3A_198 : i32 to vector<16xi32>
    %gather3A_200 = tpu.vector_load_idx %arg5[%add3A_115, %broadcast_in_dim3A_199, %broadcast_in_dim3A_194] : memref<128x2x10xf32, #tpu.memory_space<vmem>>[vector<16xi32>, vector<16xi32>, vector<16xi32>], vector<16xf32>,
    %sub3A_201 = arith.subf %gather3A_197, %gather3A_200 : vector<16xf32>
    %get3A_202 = arith.constant 5 : i64
    %get3A_203 = arith.index_cast %get3A_202 : i64 to index
    %get3A_204 = arith.constant 0 : index
    %get3A_205 = tpu.vector_load %arg6[%get3A_203, %get3A_204] {strides = array<i32>} : memref<6x16xf32, #tpu.memory_space<vmem>>, vector<16xf32>,
    %mul3A_206 = arith.mulf %sub3A_201, %get3A_205 : vector<16xf32>
    %add3A_207 = arith.addf %add3A_192, %mul3A_206 : vector<16xf32>
    %neg3A_208 = arith.constant 0.000000e+00 : f32
    %neg3A_209 = vector.broadcast %neg3A_208 : f32 to vector<16xf32>
    %neg3A_210 = arith.subf %neg3A_209, %add3A_207 : vector<16xf32>
    %exp3A_211 = math.exp %neg3A_210 : vector<16xf32>
    %add3A_212 = arith.constant 1.000000e+00 : f32
    %add3A_213 = vector.broadcast %add3A_212 : f32 to vector<16xf32>
    %add3A_214 = arith.addf %add3A_213, %exp3A_211 : vector<16xf32>
    %div3A_215 = arith.constant 1.000000e+00 : f32
    %div3A_216 = vector.broadcast %div3A_215 : f32 to vector<16xf32>
    %div3A_217 = arith.divf %div3A_216, %add3A_214 : vector<16xf32>
    %add3A_218 = arith.constant 32 : i32
    %add3A_219 = vector.broadcast %add3A_218 : i32 to vector<16xi32>
    %add3A_220 = arith.addi %mul3A_5, %add3A_219 : vector<16xi32>
    tpu.vector_store_idx %arg7[%add3A_220], %div3A_217 : memref<256xf32, #tpu.memory_space<vmem>>[vector<16xi32>], vector<16xf32>,
    %add3A_221 = arith.constant 1 : i32
    %add3A_222 = vector.broadcast %add3A_221 : i32 to vector<16xi32>
    %add3A_223 = arith.addi %add3A_220, %add3A_222 : vector<16xi32>
    %sub3A_224 = arith.constant 1.000000e+00 : f32
    %sub3A_225 = vector.broadcast %sub3A_224 : f32 to vector<16xf32>
    %sub3A_226 = arith.subf %sub3A_225, %div3A_217 : vector<16xf32>
    tpu.vector_store_idx %arg7[%add3A_223], %sub3A_226 : memref<256xf32, #tpu.memory_space<vmem>>[vector<16xi32>], vector<16xf32>,
    %add3A_227 = arith.constant 32 : i32
    %add3A_228 = vector.broadcast %add3A_227 : i32 to vector<16xi32>
    %add3A_229 = arith.addi %iota3A, %add3A_228 : vector<16xi32>
    %broadcast_in_dim3A_230 = arith.constant 0.000000e+00 : f32
    %broadcast_in_dim3A_231 = vector.broadcast %broadcast_in_dim3A_230 : f32 to vector<16xf32>
    %broadcast_in_dim3A_232 = arith.constant 0 : i32
    %broadcast_in_dim3A_233 = vector.broadcast %broadcast_in_dim3A_232 : i32 to vector<16xi32>
    %broadcast_in_dim3A_234 = arith.constant 0 : i32
    %broadcast_in_dim3A_235 = vector.broadcast %broadcast_in_dim3A_234 : i32 to vector<16xi32>
    %gather3A_236 = tpu.vector_load_idx %arg5[%add3A_229, %broadcast_in_dim3A_235, %broadcast_in_dim3A_233] : memref<128x2x10xf32, #tpu.memory_space<vmem>>[vector<16xi32>, vector<16xi32>, vector<16xi32>], vector<16xf32>,
    %broadcast_in_dim3A_237 = arith.constant 1 : i32
    %broadcast_in_dim3A_238 = vector.broadcast %broadcast_in_dim3A_237 : i32 to vector<16xi32>
    %gather3A_239 = tpu.vector_load_idx %arg5[%add3A_229, %broadcast_in_dim3A_238, %broadcast_in_dim3A_233] : memref<128x2x10xf32, #tpu.memory_space<vmem>>[vector<16xi32>, vector<16xi32>, vector<16xi32>], vector<16xf32>,
    %sub3A_240 = arith.subf %gather3A_236, %gather3A_239 : vector<16xf32>
    %get3A_241 = arith.constant 0 : i64
    %get3A_242 = arith.index_cast %get3A_241 : i64 to index
    %get3A_243 = arith.constant 0 : index
    %get3A_244 = tpu.vector_load %arg6[%get3A_242, %get3A_243] {strides = array<i32>} : memref<6x16xf32, #tpu.memory_space<vmem>>, vector<16xf32>,
    %mul3A_245 = arith.mulf %sub3A_240, %get3A_244 : vector<16xf32>
    %add3A_246 = arith.addf %broadcast_in_dim3A_231, %mul3A_245 : vector<16xf32>
    %broadcast_in_dim3A_247 = arith.constant 1 : i32
    %broadcast_in_dim3A_248 = vector.broadcast %broadcast_in_dim3A_247 : i32 to vector<16xi32>
    %broadcast_in_dim3A_249 = arith.constant 0 : i32
    %broadcast_in_dim3A_250 = vector.broadcast %broadcast_in_dim3A_249 : i32 to vector<16xi32>
    %gather3A_251 = tpu.vector_load_idx %arg5[%add3A_229, %broadcast_in_dim3A_250, %broadcast_in_dim3A_248] : memref<128x2x10xf32, #tpu.memory_space<vmem>>[vector<16xi32>, vector<16xi32>, vector<16xi32>], vector<16xf32>,
    %broadcast_in_dim3A_252 = arith.constant 1 : i32
    %broadcast_in_dim3A_253 = vector.broadcast %broadcast_in_dim3A_252 : i32 to vector<16xi32>
    %gather3A_254 = tpu.vector_load_idx %arg5[%add3A_229, %broadcast_in_dim3A_253, %broadcast_in_dim3A_248] : memref<128x2x10xf32, #tpu.memory_space<vmem>>[vector<16xi32>, vector<16xi32>, vector<16xi32>], vector<16xf32>,
    %sub3A_255 = arith.subf %gather3A_251, %gather3A_254 : vector<16xf32>
    %get3A_256 = arith.constant 1 : i64
    %get3A_257 = arith.index_cast %get3A_256 : i64 to index
    %get3A_258 = arith.constant 0 : index
    %get3A_259 = tpu.vector_load %arg6[%get3A_257, %get3A_258] {strides = array<i32>} : memref<6x16xf32, #tpu.memory_space<vmem>>, vector<16xf32>,
    %mul3A_260 = arith.mulf %sub3A_255, %get3A_259 : vector<16xf32>
    %add3A_261 = arith.addf %add3A_246, %mul3A_260 : vector<16xf32>
    %broadcast_in_dim3A_262 = arith.constant 2 : i32
    %broadcast_in_dim3A_263 = vector.broadcast %broadcast_in_dim3A_262 : i32 to vector<16xi32>
    %broadcast_in_dim3A_264 = arith.constant 0 : i32
    %broadcast_in_dim3A_265 = vector.broadcast %broadcast_in_dim3A_264 : i32 to vector<16xi32>
    %gather3A_266 = tpu.vector_load_idx %arg5[%add3A_229, %broadcast_in_dim3A_265, %broadcast_in_dim3A_263] : memref<128x2x10xf32, #tpu.memory_space<vmem>>[vector<16xi32>, vector<16xi32>, vector<16xi32>], vector<16xf32>,
    %broadcast_in_dim3A_267 = arith.constant 1 : i32
    %broadcast_in_dim3A_268 = vector.broadcast %broadcast_in_dim3A_267 : i32 to vector<16xi32>
    %gather3A_269 = tpu.vector_load_idx %arg5[%add3A_229, %broadcast_in_dim3A_268, %broadcast_in_dim3A_263] : memref<128x2x10xf32, #tpu.memory_space<vmem>>[vector<16xi32>, vector<16xi32>, vector<16xi32>], vector<16xf32>,
    %sub3A_270 = arith.subf %gather3A_266, %gather3A_269 : vector<16xf32>
    %get3A_271 = arith.constant 2 : i64
    %get3A_272 = arith.index_cast %get3A_271 : i64 to index
    %get3A_273 = arith.constant 0 : index
    %get3A_274 = tpu.vector_load %arg6[%get3A_272, %get3A_273] {strides = array<i32>} : memref<6x16xf32, #tpu.memory_space<vmem>>, vector<16xf32>,
    %mul3A_275 = arith.mulf %sub3A_270, %get3A_274 : vector<16xf32>
    %add3A_276 = arith.addf %add3A_261, %mul3A_275 : vector<16xf32>
    %broadcast_in_dim3A_277 = arith.constant 3 : i32
    %broadcast_in_dim3A_278 = vector.broadcast %broadcast_in_dim3A_277 : i32 to vector<16xi32>
    %broadcast_in_dim3A_279 = arith.constant 0 : i32
    %broadcast_in_dim3A_280 = vector.broadcast %broadcast_in_dim3A_279 : i32 to vector<16xi32>
    %gather3A_281 = tpu.vector_load_idx %arg5[%add3A_229, %broadcast_in_dim3A_280, %broadcast_in_dim3A_278] : memref<128x2x10xf32, #tpu.memory_space<vmem>>[vector<16xi32>, vector<16xi32>, vector<16xi32>], vector<16xf32>,
    %broadcast_in_dim3A_282 = arith.constant 1 : i32
    %broadcast_in_dim3A_283 = vector.broadcast %broadcast_in_dim3A_282 : i32 to vector<16xi32>
    %gather3A_284 = tpu.vector_load_idx %arg5[%add3A_229, %broadcast_in_dim3A_283, %broadcast_in_dim3A_278] : memref<128x2x10xf32, #tpu.memory_space<vmem>>[vector<16xi32>, vector<16xi32>, vector<16xi32>], vector<16xf32>,
    %sub3A_285 = arith.subf %gather3A_281, %gather3A_284 : vector<16xf32>
    %get3A_286 = arith.constant 3 : i64
    %get3A_287 = arith.index_cast %get3A_286 : i64 to index
    %get3A_288 = arith.constant 0 : index
    %get3A_289 = tpu.vector_load %arg6[%get3A_287, %get3A_288] {strides = array<i32>} : memref<6x16xf32, #tpu.memory_space<vmem>>, vector<16xf32>,
    %mul3A_290 = arith.mulf %sub3A_285, %get3A_289 : vector<16xf32>
    %add3A_291 = arith.addf %add3A_276, %mul3A_290 : vector<16xf32>
    %broadcast_in_dim3A_292 = arith.constant 4 : i32
    %broadcast_in_dim3A_293 = vector.broadcast %broadcast_in_dim3A_292 : i32 to vector<16xi32>
    %broadcast_in_dim3A_294 = arith.constant 0 : i32
    %broadcast_in_dim3A_295 = vector.broadcast %broadcast_in_dim3A_294 : i32 to vector<16xi32>
    %gather3A_296 = tpu.vector_load_idx %arg5[%add3A_229, %broadcast_in_dim3A_295, %broadcast_in_dim3A_293] : memref<128x2x10xf32, #tpu.memory_space<vmem>>[vector<16xi32>, vector<16xi32>, vector<16xi32>], vector<16xf32>,
    %broadcast_in_dim3A_297 = arith.constant 1 : i32
    %broadcast_in_dim3A_298 = vector.broadcast %broadcast_in_dim3A_297 : i32 to vector<16xi32>
    %gather3A_299 = tpu.vector_load_idx %arg5[%add3A_229, %broadcast_in_dim3A_298, %broadcast_in_dim3A_293] : memref<128x2x10xf32, #tpu.memory_space<vmem>>[vector<16xi32>, vector<16xi32>, vector<16xi32>], vector<16xf32>,
    %sub3A_300 = arith.subf %gather3A_296, %gather3A_299 : vector<16xf32>
    %get3A_301 = arith.constant 4 : i64
    %get3A_302 = arith.index_cast %get3A_301 : i64 to index
    %get3A_303 = arith.constant 0 : index
    %get3A_304 = tpu.vector_load %arg6[%get3A_302, %get3A_303] {strides = array<i32>} : memref<6x16xf32, #tpu.memory_space<vmem>>, vector<16xf32>,
    %mul3A_305 = arith.mulf %sub3A_300, %get3A_304 : vector<16xf32>
    %add3A_306 = arith.addf %add3A_291, %mul3A_305 : vector<16xf32>
    %broadcast_in_dim3A_307 = arith.constant 5 : i32
    %broadcast_in_dim3A_308 = vector.broadcast %broadcast_in_dim3A_307 : i32 to vector<16xi32>
    %broadcast_in_dim3A_309 = arith.constant 0 : i32
    %broadcast_in_dim3A_310 = vector.broadcast %broadcast_in_dim3A_309 : i32 to vector<16xi32>
    %gather3A_311 = tpu.vector_load_idx %arg5[%add3A_229, %broadcast_in_dim3A_310, %broadcast_in_dim3A_308] : memref<128x2x10xf32, #tpu.memory_space<vmem>>[vector<16xi32>, vector<16xi32>, vector<16xi32>], vector<16xf32>,
    %broadcast_in_dim3A_312 = arith.constant 1 : i32
    %broadcast_in_dim3A_313 = vector.broadcast %broadcast_in_dim3A_312 : i32 to vector<16xi32>
    %gather3A_314 = tpu.vector_load_idx %arg5[%add3A_229, %broadcast_in_dim3A_313, %broadcast_in_dim3A_308] : memref<128x2x10xf32, #tpu.memory_space<vmem>>[vector<16xi32>, vector<16xi32>, vector<16xi32>], vector<16xf32>,
    %sub3A_315 = arith.subf %gather3A_311, %gather3A_314 : vector<16xf32>
    %get3A_316 = arith.constant 5 : i64
    %get3A_317 = arith.index_cast %get3A_316 : i64 to index
    %get3A_318 = arith.constant 0 : index
    %get3A_319 = tpu.vector_load %arg6[%get3A_317, %get3A_318] {strides = array<i32>} : memref<6x16xf32, #tpu.memory_space<vmem>>, vector<16xf32>,
    %mul3A_320 = arith.mulf %sub3A_315, %get3A_319 : vector<16xf32>
    %add3A_321 = arith.addf %add3A_306, %mul3A_320 : vector<16xf32>
    %neg3A_322 = arith.constant 0.000000e+00 : f32
    %neg3A_323 = vector.broadcast %neg3A_322 : f32 to vector<16xf32>
    %neg3A_324 = arith.subf %neg3A_323, %add3A_321 : vector<16xf32>
    %exp3A_325 = math.exp %neg3A_324 : vector<16xf32>
    %add3A_326 = arith.constant 1.000000e+00 : f32
    %add3A_327 = vector.broadcast %add3A_326 : f32 to vector<16xf32>
    %add3A_328 = arith.addf %add3A_327, %exp3A_325 : vector<16xf32>
    %div3A_329 = arith.constant 1.000000e+00 : f32
    %div3A_330 = vector.broadcast %div3A_329 : f32 to vector<16xf32>
    %div3A_331 = arith.divf %div3A_330, %add3A_328 : vector<16xf32>
    %add3A_332 = arith.constant 64 : i32
    %add3A_333 = vector.broadcast %add3A_332 : i32 to vector<16xi32>
    %add3A_334 = arith.addi %mul3A_5, %add3A_333 : vector<16xi32>
    tpu.vector_store_idx %arg7[%add3A_334], %div3A_331 : memref<256xf32, #tpu.memory_space<vmem>>[vector<16xi32>], vector<16xf32>,
    %add3A_335 = arith.constant 1 : i32
    %add3A_336 = vector.broadcast %add3A_335 : i32 to vector<16xi32>
    %add3A_337 = arith.addi %add3A_334, %add3A_336 : vector<16xi32>
    %sub3A_338 = arith.constant 1.000000e+00 : f32
    %sub3A_339 = vector.broadcast %sub3A_338 : f32 to vector<16xf32>
    %sub3A_340 = arith.subf %sub3A_339, %div3A_331 : vector<16xf32>
    tpu.vector_store_idx %arg7[%add3A_337], %sub3A_340 : memref<256xf32, #tpu.memory_space<vmem>>[vector<16xi32>], vector<16xf32>,
    %add3A_341 = arith.constant 48 : i32
    %add3A_342 = vector.broadcast %add3A_341 : i32 to vector<16xi32>
    %add3A_343 = arith.addi %iota3A, %add3A_342 : vector<16xi32>
    %broadcast_in_dim3A_344 = arith.constant 0.000000e+00 : f32
    %broadcast_in_dim3A_345 = vector.broadcast %broadcast_in_dim3A_344 : f32 to vector<16xf32>
    %broadcast_in_dim3A_346 = arith.constant 0 : i32
    %broadcast_in_dim3A_347 = vector.broadcast %broadcast_in_dim3A_346 : i32 to vector<16xi32>
    %broadcast_in_dim3A_348 = arith.constant 0 : i32
    %broadcast_in_dim3A_349 = vector.broadcast %broadcast_in_dim3A_348 : i32 to vector<16xi32>
    %gather3A_350 = tpu.vector_load_idx %arg5[%add3A_343, %broadcast_in_dim3A_349, %broadcast_in_dim3A_347] : memref<128x2x10xf32, #tpu.memory_space<vmem>>[vector<16xi32>, vector<16xi32>, vector<16xi32>], vector<16xf32>,
    %broadcast_in_dim3A_351 = arith.constant 1 : i32
    %broadcast_in_dim3A_352 = vector.broadcast %broadcast_in_dim3A_351 : i32 to vector<16xi32>
    %gather3A_353 = tpu.vector_load_idx %arg5[%add3A_343, %broadcast_in_dim3A_352, %broadcast_in_dim3A_347] : memref<128x2x10xf32, #tpu.memory_space<vmem>>[vector<16xi32>, vector<16xi32>, vector<16xi32>], vector<16xf32>,
    %sub3A_354 = arith.subf %gather3A_350, %gather3A_353 : vector<16xf32>
    %get3A_355 = arith.constant 0 : i64
    %get3A_356 = arith.index_cast %get3A_355 : i64 to index
    %get3A_357 = arith.constant 0 : index
    %get3A_358 = tpu.vector_load %arg6[%get3A_356, %get3A_357] {strides = array<i32>} : memref<6x16xf32, #tpu.memory_space<vmem>>, vector<16xf32>,
    %mul3A_359 = arith.mulf %sub3A_354, %get3A_358 : vector<16xf32>
    %add3A_360 = arith.addf %broadcast_in_dim3A_345, %mul3A_359 : vector<16xf32>
    %broadcast_in_dim3A_361 = arith.constant 1 : i32
    %broadcast_in_dim3A_362 = vector.broadcast %broadcast_in_dim3A_361 : i32 to vector<16xi32>
    %broadcast_in_dim3A_363 = arith.constant 0 : i32
    %broadcast_in_dim3A_364 = vector.broadcast %broadcast_in_dim3A_363 : i32 to vector<16xi32>
    %gather3A_365 = tpu.vector_load_idx %arg5[%add3A_343, %broadcast_in_dim3A_364, %broadcast_in_dim3A_362] : memref<128x2x10xf32, #tpu.memory_space<vmem>>[vector<16xi32>, vector<16xi32>, vector<16xi32>], vector<16xf32>,
    %broadcast_in_dim3A_366 = arith.constant 1 : i32
    %broadcast_in_dim3A_367 = vector.broadcast %broadcast_in_dim3A_366 : i32 to vector<16xi32>
    %gather3A_368 = tpu.vector_load_idx %arg5[%add3A_343, %broadcast_in_dim3A_367, %broadcast_in_dim3A_362] : memref<128x2x10xf32, #tpu.memory_space<vmem>>[vector<16xi32>, vector<16xi32>, vector<16xi32>], vector<16xf32>,
    %sub3A_369 = arith.subf %gather3A_365, %gather3A_368 : vector<16xf32>
    %get3A_370 = arith.constant 1 : i64
    %get3A_371 = arith.index_cast %get3A_370 : i64 to index
    %get3A_372 = arith.constant 0 : index
    %get3A_373 = tpu.vector_load %arg6[%get3A_371, %get3A_372] {strides = array<i32>} : memref<6x16xf32, #tpu.memory_space<vmem>>, vector<16xf32>,
    %mul3A_374 = arith.mulf %sub3A_369, %get3A_373 : vector<16xf32>
    %add3A_375 = arith.addf %add3A_360, %mul3A_374 : vector<16xf32>
    %broadcast_in_dim3A_376 = arith.constant 2 : i32
    %broadcast_in_dim3A_377 = vector.broadcast %broadcast_in_dim3A_376 : i32 to vector<16xi32>
    %broadcast_in_dim3A_378 = arith.constant 0 : i32
    %broadcast_in_dim3A_379 = vector.broadcast %broadcast_in_dim3A_378 : i32 to vector<16xi32>
    %gather3A_380 = tpu.vector_load_idx %arg5[%add3A_343, %broadcast_in_dim3A_379, %broadcast_in_dim3A_377] : memref<128x2x10xf32, #tpu.memory_space<vmem>>[vector<16xi32>, vector<16xi32>, vector<16xi32>], vector<16xf32>,
    %broadcast_in_dim3A_381 = arith.constant 1 : i32
    %broadcast_in_dim3A_382 = vector.broadcast %broadcast_in_dim3A_381 : i32 to vector<16xi32>
    %gather3A_383 = tpu.vector_load_idx %arg5[%add3A_343, %broadcast_in_dim3A_382, %broadcast_in_dim3A_377] : memref<128x2x10xf32, #tpu.memory_space<vmem>>[vector<16xi32>, vector<16xi32>, vector<16xi32>], vector<16xf32>,
    %sub3A_384 = arith.subf %gather3A_380, %gather3A_383 : vector<16xf32>
    %get3A_385 = arith.constant 2 : i64
    %get3A_386 = arith.index_cast %get3A_385 : i64 to index
    %get3A_387 = arith.constant 0 : index
    %get3A_388 = tpu.vector_load %arg6[%get3A_386, %get3A_387] {strides = array<i32>} : memref<6x16xf32, #tpu.memory_space<vmem>>, vector<16xf32>,
    %mul3A_389 = arith.mulf %sub3A_384, %get3A_388 : vector<16xf32>
    %add3A_390 = arith.addf %add3A_375, %mul3A_389 : vector<16xf32>
    %broadcast_in_dim3A_391 = arith.constant 3 : i32
    %broadcast_in_dim3A_392 = vector.broadcast %broadcast_in_dim3A_391 : i32 to vector<16xi32>
    %broadcast_in_dim3A_393 = arith.constant 0 : i32
    %broadcast_in_dim3A_394 = vector.broadcast %broadcast_in_dim3A_393 : i32 to vector<16xi32>
    %gather3A_395 = tpu.vector_load_idx %arg5[%add3A_343, %broadcast_in_dim3A_394, %broadcast_in_dim3A_392] : memref<128x2x10xf32, #tpu.memory_space<vmem>>[vector<16xi32>, vector<16xi32>, vector<16xi32>], vector<16xf32>,
    %broadcast_in_dim3A_396 = arith.constant 1 : i32
    %broadcast_in_dim3A_397 = vector.broadcast %broadcast_in_dim3A_396 : i32 to vector<16xi32>
    %gather3A_398 = tpu.vector_load_idx %arg5[%add3A_343, %broadcast_in_dim3A_397, %broadcast_in_dim3A_392] : memref<128x2x10xf32, #tpu.memory_space<vmem>>[vector<16xi32>, vector<16xi32>, vector<16xi32>], vector<16xf32>,
    %sub3A_399 = arith.subf %gather3A_395, %gather3A_398 : vector<16xf32>
    %get3A_400 = arith.constant 3 : i64
    %get3A_401 = arith.index_cast %get3A_400 : i64 to index
    %get3A_402 = arith.constant 0 : index
    %get3A_403 = tpu.vector_load %arg6[%get3A_401, %get3A_402] {strides = array<i32>} : memref<6x16xf32, #tpu.memory_space<vmem>>, vector<16xf32>,
    %mul3A_404 = arith.mulf %sub3A_399, %get3A_403 : vector<16xf32>
    %add3A_405 = arith.addf %add3A_390, %mul3A_404 : vector<16xf32>
    %broadcast_in_dim3A_406 = arith.constant 4 : i32
    %broadcast_in_dim3A_407 = vector.broadcast %broadcast_in_dim3A_406 : i32 to vector<16xi32>
    %broadcast_in_dim3A_408 = arith.constant 0 : i32
    %broadcast_in_dim3A_409 = vector.broadcast %broadcast_in_dim3A_408 : i32 to vector<16xi32>
    %gather3A_410 = tpu.vector_load_idx %arg5[%add3A_343, %broadcast_in_dim3A_409, %broadcast_in_dim3A_407] : memref<128x2x10xf32, #tpu.memory_space<vmem>>[vector<16xi32>, vector<16xi32>, vector<16xi32>], vector<16xf32>,
    %broadcast_in_dim3A_411 = arith.constant 1 : i32
    %broadcast_in_dim3A_412 = vector.broadcast %broadcast_in_dim3A_411 : i32 to vector<16xi32>
    %gather3A_413 = tpu.vector_load_idx %arg5[%add3A_343, %broadcast_in_dim3A_412, %broadcast_in_dim3A_407] : memref<128x2x10xf32, #tpu.memory_space<vmem>>[vector<16xi32>, vector<16xi32>, vector<16xi32>], vector<16xf32>,
    %sub3A_414 = arith.subf %gather3A_410, %gather3A_413 : vector<16xf32>
    %get3A_415 = arith.constant 4 : i64
    %get3A_416 = arith.index_cast %get3A_415 : i64 to index
    %get3A_417 = arith.constant 0 : index
    %get3A_418 = tpu.vector_load %arg6[%get3A_416, %get3A_417] {strides = array<i32>} : memref<6x16xf32, #tpu.memory_space<vmem>>, vector<16xf32>,
    %mul3A_419 = arith.mulf %sub3A_414, %get3A_418 : vector<16xf32>
    %add3A_420 = arith.addf %add3A_405, %mul3A_419 : vector<16xf32>
    %broadcast_in_dim3A_421 = arith.constant 5 : i32
    %broadcast_in_dim3A_422 = vector.broadcast %broadcast_in_dim3A_421 : i32 to vector<16xi32>
    %broadcast_in_dim3A_423 = arith.constant 0 : i32
    %broadcast_in_dim3A_424 = vector.broadcast %broadcast_in_dim3A_423 : i32 to vector<16xi32>
    %gather3A_425 = tpu.vector_load_idx %arg5[%add3A_343, %broadcast_in_dim3A_424, %broadcast_in_dim3A_422] : memref<128x2x10xf32, #tpu.memory_space<vmem>>[vector<16xi32>, vector<16xi32>, vector<16xi32>], vector<16xf32>,
    %broadcast_in_dim3A_426 = arith.constant 1 : i32
    %broadcast_in_dim3A_427 = vector.broadcast %broadcast_in_dim3A_426 : i32 to vector<16xi32>
    %gather3A_428 = tpu.vector_load_idx %arg5[%add3A_343, %broadcast_in_dim3A_427, %broadcast_in_dim3A_422] : memref<128x2x10xf32, #tpu.memory_space<vmem>>[vector<16xi32>, vector<16xi32>, vector<16xi32>], vector<16xf32>,
    %sub3A_429 = arith.subf %gather3A_425, %gather3A_428 : vector<16xf32>
    %get3A_430 = arith.constant 5 : i64
    %get3A_431 = arith.index_cast %get3A_430 : i64 to index
    %get3A_432 = arith.constant 0 : index
    %get3A_433 = tpu.vector_load %arg6[%get3A_431, %get3A_432] {strides = array<i32>} : memref<6x16xf32, #tpu.memory_space<vmem>>, vector<16xf32>,
    %mul3A_434 = arith.mulf %sub3A_429, %get3A_433 : vector<16xf32>
    %add3A_435 = arith.addf %add3A_420, %mul3A_434 : vector<16xf32>
    %neg3A_436 = arith.constant 0.000000e+00 : f32
    %neg3A_437 = vector.broadcast %neg3A_436 : f32 to vector<16xf32>
    %neg3A_438 = arith.subf %neg3A_437, %add3A_435 : vector<16xf32>
    %exp3A_439 = math.exp %neg3A_438 : vector<16xf32>
    %add3A_440 = arith.constant 1.000000e+00 : f32
    %add3A_441 = vector.broadcast %add3A_440 : f32 to vector<16xf32>
    %add3A_442 = arith.addf %add3A_441, %exp3A_439 : vector<16xf32>
    %div3A_443 = arith.constant 1.000000e+00 : f32
    %div3A_444 = vector.broadcast %div3A_443 : f32 to vector<16xf32>
    %div3A_445 = arith.divf %div3A_444, %add3A_442 : vector<16xf32>
    %add3A_446 = arith.constant 96 : i32
    %add3A_447 = vector.broadcast %add3A_446 : i32 to vector<16xi32>
    %add3A_448 = arith.addi %mul3A_5, %add3A_447 : vector<16xi32>
    tpu.vector_store_idx %arg7[%add3A_448], %div3A_445 : memref<256xf32, #tpu.memory_space<vmem>>[vector<16xi32>], vector<16xf32>,
    %add3A_449 = arith.constant 1 : i32
    %add3A_450 = vector.broadcast %add3A_449 : i32 to vector<16xi32>
    %add3A_451 = arith.addi %add3A_448, %add3A_450 : vector<16xi32>
    %sub3A_452 = arith.constant 1.000000e+00 : f32
    %sub3A_453 = vector.broadcast %sub3A_452 : f32 to vector<16xf32>
    %sub3A_454 = arith.subf %sub3A_453, %div3A_445 : vector<16xf32>
    tpu.vector_store_idx %arg7[%add3A_451], %sub3A_454 : memref<256xf32, #tpu.memory_space<vmem>>[vector<16xi32>], vector<16xf32>,
    %add3A_455 = arith.constant 64 : i32
    %add3A_456 = vector.broadcast %add3A_455 : i32 to vector<16xi32>
    %add3A_457 = arith.addi %iota3A, %add3A_456 : vector<16xi32>
    %broadcast_in_dim3A_458 = arith.constant 0.000000e+00 : f32
    %broadcast_in_dim3A_459 = vector.broadcast %broadcast_in_dim3A_458 : f32 to vector<16xf32>
    %broadcast_in_dim3A_460 = arith.constant 0 : i32
    %broadcast_in_dim3A_461 = vector.broadcast %broadcast_in_dim3A_460 : i32 to vector<16xi32>
    %broadcast_in_dim3A_462 = arith.constant 0 : i32
    %broadcast_in_dim3A_463 = vector.broadcast %broadcast_in_dim3A_462 : i32 to vector<16xi32>
    %gather3A_464 = tpu.vector_load_idx %arg5[%add3A_457, %broadcast_in_dim3A_463, %broadcast_in_dim3A_461] : memref<128x2x10xf32, #tpu.memory_space<vmem>>[vector<16xi32>, vector<16xi32>, vector<16xi32>], vector<16xf32>,
    %broadcast_in_dim3A_465 = arith.constant 1 : i32
    %broadcast_in_dim3A_466 = vector.broadcast %broadcast_in_dim3A_465 : i32 to vector<16xi32>
    %gather3A_467 = tpu.vector_load_idx %arg5[%add3A_457, %broadcast_in_dim3A_466, %broadcast_in_dim3A_461] : memref<128x2x10xf32, #tpu.memory_space<vmem>>[vector<16xi32>, vector<16xi32>, vector<16xi32>], vector<16xf32>,
    %sub3A_468 = arith.subf %gather3A_464, %gather3A_467 : vector<16xf32>
    %get3A_469 = arith.constant 0 : i64
    %get3A_470 = arith.index_cast %get3A_469 : i64 to index
    %get3A_471 = arith.constant 0 : index
    %get3A_472 = tpu.vector_load %arg6[%get3A_470, %get3A_471] {strides = array<i32>} : memref<6x16xf32, #tpu.memory_space<vmem>>, vector<16xf32>,
    %mul3A_473 = arith.mulf %sub3A_468, %get3A_472 : vector<16xf32>
    %add3A_474 = arith.addf %broadcast_in_dim3A_459, %mul3A_473 : vector<16xf32>
    %broadcast_in_dim3A_475 = arith.constant 1 : i32
    %broadcast_in_dim3A_476 = vector.broadcast %broadcast_in_dim3A_475 : i32 to vector<16xi32>
    %broadcast_in_dim3A_477 = arith.constant 0 : i32
    %broadcast_in_dim3A_478 = vector.broadcast %broadcast_in_dim3A_477 : i32 to vector<16xi32>
    %gather3A_479 = tpu.vector_load_idx %arg5[%add3A_457, %broadcast_in_dim3A_478, %broadcast_in_dim3A_476] : memref<128x2x10xf32, #tpu.memory_space<vmem>>[vector<16xi32>, vector<16xi32>, vector<16xi32>], vector<16xf32>,
    %broadcast_in_dim3A_480 = arith.constant 1 : i32
    %broadcast_in_dim3A_481 = vector.broadcast %broadcast_in_dim3A_480 : i32 to vector<16xi32>
    %gather3A_482 = tpu.vector_load_idx %arg5[%add3A_457, %broadcast_in_dim3A_481, %broadcast_in_dim3A_476] : memref<128x2x10xf32, #tpu.memory_space<vmem>>[vector<16xi32>, vector<16xi32>, vector<16xi32>], vector<16xf32>,
    %sub3A_483 = arith.subf %gather3A_479, %gather3A_482 : vector<16xf32>
    %get3A_484 = arith.constant 1 : i64
    %get3A_485 = arith.index_cast %get3A_484 : i64 to index
    %get3A_486 = arith.constant 0 : index
    %get3A_487 = tpu.vector_load %arg6[%get3A_485, %get3A_486] {strides = array<i32>} : memref<6x16xf32, #tpu.memory_space<vmem>>, vector<16xf32>,
    %mul3A_488 = arith.mulf %sub3A_483, %get3A_487 : vector<16xf32>
    %add3A_489 = arith.addf %add3A_474, %mul3A_488 : vector<16xf32>
    %broadcast_in_dim3A_490 = arith.constant 2 : i32
    %broadcast_in_dim3A_491 = vector.broadcast %broadcast_in_dim3A_490 : i32 to vector<16xi32>
    %broadcast_in_dim3A_492 = arith.constant 0 : i32
    %broadcast_in_dim3A_493 = vector.broadcast %broadcast_in_dim3A_492 : i32 to vector<16xi32>
    %gather3A_494 = tpu.vector_load_idx %arg5[%add3A_457, %broadcast_in_dim3A_493, %broadcast_in_dim3A_491] : memref<128x2x10xf32, #tpu.memory_space<vmem>>[vector<16xi32>, vector<16xi32>, vector<16xi32>], vector<16xf32>,
    %broadcast_in_dim3A_495 = arith.constant 1 : i32
    %broadcast_in_dim3A_496 = vector.broadcast %broadcast_in_dim3A_495 : i32 to vector<16xi32>
    %gather3A_497 = tpu.vector_load_idx %arg5[%add3A_457, %broadcast_in_dim3A_496, %broadcast_in_dim3A_491] : memref<128x2x10xf32, #tpu.memory_space<vmem>>[vector<16xi32>, vector<16xi32>, vector<16xi32>], vector<16xf32>,
    %sub3A_498 = arith.subf %gather3A_494, %gather3A_497 : vector<16xf32>
    %get3A_499 = arith.constant 2 : i64
    %get3A_500 = arith.index_cast %get3A_499 : i64 to index
    %get3A_501 = arith.constant 0 : index
    %get3A_502 = tpu.vector_load %arg6[%get3A_500, %get3A_501] {strides = array<i32>} : memref<6x16xf32, #tpu.memory_space<vmem>>, vector<16xf32>,
    %mul3A_503 = arith.mulf %sub3A_498, %get3A_502 : vector<16xf32>
    %add3A_504 = arith.addf %add3A_489, %mul3A_503 : vector<16xf32>
    %broadcast_in_dim3A_505 = arith.constant 3 : i32
    %broadcast_in_dim3A_506 = vector.broadcast %broadcast_in_dim3A_505 : i32 to vector<16xi32>
    %broadcast_in_dim3A_507 = arith.constant 0 : i32
    %broadcast_in_dim3A_508 = vector.broadcast %broadcast_in_dim3A_507 : i32 to vector<16xi32>
    %gather3A_509 = tpu.vector_load_idx %arg5[%add3A_457, %broadcast_in_dim3A_508, %broadcast_in_dim3A_506] : memref<128x2x10xf32, #tpu.memory_space<vmem>>[vector<16xi32>, vector<16xi32>, vector<16xi32>], vector<16xf32>,
    %broadcast_in_dim3A_510 = arith.constant 1 : i32
    %broadcast_in_dim3A_511 = vector.broadcast %broadcast_in_dim3A_510 : i32 to vector<16xi32>
    %gather3A_512 = tpu.vector_load_idx %arg5[%add3A_457, %broadcast_in_dim3A_511, %broadcast_in_dim3A_506] : memref<128x2x10xf32, #tpu.memory_space<vmem>>[vector<16xi32>, vector<16xi32>, vector<16xi32>], vector<16xf32>,
    %sub3A_513 = arith.subf %gather3A_509, %gather3A_512 : vector<16xf32>
    %get3A_514 = arith.constant 3 : i64
    %get3A_515 = arith.index_cast %get3A_514 : i64 to index
    %get3A_516 = arith.constant 0 : index
    %get3A_517 = tpu.vector_load %arg6[%get3A_515, %get3A_516] {strides = array<i32>} : memref<6x16xf32, #tpu.memory_space<vmem>>, vector<16xf32>,
    %mul3A_518 = arith.mulf %sub3A_513, %get3A_517 : vector<16xf32>
    %add3A_519 = arith.addf %add3A_504, %mul3A_518 : vector<16xf32>
    %broadcast_in_dim3A_520 = arith.constant 4 : i32
    %broadcast_in_dim3A_521 = vector.broadcast %broadcast_in_dim3A_520 : i32 to vector<16xi32>
    %broadcast_in_dim3A_522 = arith.constant 0 : i32
    %broadcast_in_dim3A_523 = vector.broadcast %broadcast_in_dim3A_522 : i32 to vector<16xi32>
    %gather3A_524 = tpu.vector_load_idx %arg5[%add3A_457, %broadcast_in_dim3A_523, %broadcast_in_dim3A_521] : memref<128x2x10xf32, #tpu.memory_space<vmem>>[vector<16xi32>, vector<16xi32>, vector<16xi32>], vector<16xf32>,
    %broadcast_in_dim3A_525 = arith.constant 1 : i32
    %broadcast_in_dim3A_526 = vector.broadcast %broadcast_in_dim3A_525 : i32 to vector<16xi32>
    %gather3A_527 = tpu.vector_load_idx %arg5[%add3A_457, %broadcast_in_dim3A_526, %broadcast_in_dim3A_521] : memref<128x2x10xf32, #tpu.memory_space<vmem>>[vector<16xi32>, vector<16xi32>, vector<16xi32>], vector<16xf32>,
    %sub3A_528 = arith.subf %gather3A_524, %gather3A_527 : vector<16xf32>
    %get3A_529 = arith.constant 4 : i64
    %get3A_530 = arith.index_cast %get3A_529 : i64 to index
    %get3A_531 = arith.constant 0 : index
    %get3A_532 = tpu.vector_load %arg6[%get3A_530, %get3A_531] {strides = array<i32>} : memref<6x16xf32, #tpu.memory_space<vmem>>, vector<16xf32>,
    %mul3A_533 = arith.mulf %sub3A_528, %get3A_532 : vector<16xf32>
    %add3A_534 = arith.addf %add3A_519, %mul3A_533 : vector<16xf32>
    %broadcast_in_dim3A_535 = arith.constant 5 : i32
    %broadcast_in_dim3A_536 = vector.broadcast %broadcast_in_dim3A_535 : i32 to vector<16xi32>
    %broadcast_in_dim3A_537 = arith.constant 0 : i32
    %broadcast_in_dim3A_538 = vector.broadcast %broadcast_in_dim3A_537 : i32 to vector<16xi32>
    %gather3A_539 = tpu.vector_load_idx %arg5[%add3A_457, %broadcast_in_dim3A_538, %broadcast_in_dim3A_536] : memref<128x2x10xf32, #tpu.memory_space<vmem>>[vector<16xi32>, vector<16xi32>, vector<16xi32>], vector<16xf32>,
    %broadcast_in_dim3A_540 = arith.constant 1 : i32
    %broadcast_in_dim3A_541 = vector.broadcast %broadcast_in_dim3A_540 : i32 to vector<16xi32>
    %gather3A_542 = tpu.vector_load_idx %arg5[%add3A_457, %broadcast_in_dim3A_541, %broadcast_in_dim3A_536] : memref<128x2x10xf32, #tpu.memory_space<vmem>>[vector<16xi32>, vector<16xi32>, vector<16xi32>], vector<16xf32>,
    %sub3A_543 = arith.subf %gather3A_539, %gather3A_542 : vector<16xf32>
    %get3A_544 = arith.constant 5 : i64
    %get3A_545 = arith.index_cast %get3A_544 : i64 to index
    %get3A_546 = arith.constant 0 : index
    %get3A_547 = tpu.vector_load %arg6[%get3A_545, %get3A_546] {strides = array<i32>} : memref<6x16xf32, #tpu.memory_space<vmem>>, vector<16xf32>,
    %mul3A_548 = arith.mulf %sub3A_543, %get3A_547 : vector<16xf32>
    %add3A_549 = arith.addf %add3A_534, %mul3A_548 : vector<16xf32>
    %neg3A_550 = arith.constant 0.000000e+00 : f32
    %neg3A_551 = vector.broadcast %neg3A_550 : f32 to vector<16xf32>
    %neg3A_552 = arith.subf %neg3A_551, %add3A_549 : vector<16xf32>
    %exp3A_553 = math.exp %neg3A_552 : vector<16xf32>
    %add3A_554 = arith.constant 1.000000e+00 : f32
    %add3A_555 = vector.broadcast %add3A_554 : f32 to vector<16xf32>
    %add3A_556 = arith.addf %add3A_555, %exp3A_553 : vector<16xf32>
    %div3A_557 = arith.constant 1.000000e+00 : f32
    %div3A_558 = vector.broadcast %div3A_557 : f32 to vector<16xf32>
    %div3A_559 = arith.divf %div3A_558, %add3A_556 : vector<16xf32>
    %add3A_560 = arith.constant 128 : i32
    %add3A_561 = vector.broadcast %add3A_560 : i32 to vector<16xi32>
    %add3A_562 = arith.addi %mul3A_5, %add3A_561 : vector<16xi32>
    tpu.vector_store_idx %arg7[%add3A_562], %div3A_559 : memref<256xf32, #tpu.memory_space<vmem>>[vector<16xi32>], vector<16xf32>,
    %add3A_563 = arith.constant 1 : i32
    %add3A_564 = vector.broadcast %add3A_563 : i32 to vector<16xi32>
    %add3A_565 = arith.addi %add3A_562, %add3A_564 : vector<16xi32>
    %sub3A_566 = arith.constant 1.000000e+00 : f32
    %sub3A_567 = vector.broadcast %sub3A_566 : f32 to vector<16xf32>
    %sub3A_568 = arith.subf %sub3A_567, %div3A_559 : vector<16xf32>
    tpu.vector_store_idx %arg7[%add3A_565], %sub3A_568 : memref<256xf32, #tpu.memory_space<vmem>>[vector<16xi32>], vector<16xf32>,
    %add3A_569 = arith.constant 80 : i32
    %add3A_570 = vector.broadcast %add3A_569 : i32 to vector<16xi32>
    %add3A_571 = arith.addi %iota3A, %add3A_570 : vector<16xi32>
    %broadcast_in_dim3A_572 = arith.constant 0.000000e+00 : f32
    %broadcast_in_dim3A_573 = vector.broadcast %broadcast_in_dim3A_572 : f32 to vector<16xf32>
    %broadcast_in_dim3A_574 = arith.constant 0 : i32
    %broadcast_in_dim3A_575 = vector.broadcast %broadcast_in_dim3A_574 : i32 to vector<16xi32>
    %broadcast_in_dim3A_576 = arith.constant 0 : i32
    %broadcast_in_dim3A_577 = vector.broadcast %broadcast_in_dim3A_576 : i32 to vector<16xi32>
    %gather3A_578 = tpu.vector_load_idx %arg5[%add3A_571, %broadcast_in_dim3A_577, %broadcast_in_dim3A_575] : memref<128x2x10xf32, #tpu.memory_space<vmem>>[vector<16xi32>, vector<16xi32>, vector<16xi32>], vector<16xf32>,
    %broadcast_in_dim3A_579 = arith.constant 1 : i32
    %broadcast_in_dim3A_580 = vector.broadcast %broadcast_in_dim3A_579 : i32 to vector<16xi32>
    %gather3A_581 = tpu.vector_load_idx %arg5[%add3A_571, %broadcast_in_dim3A_580, %broadcast_in_dim3A_575] : memref<128x2x10xf32, #tpu.memory_space<vmem>>[vector<16xi32>, vector<16xi32>, vector<16xi32>], vector<16xf32>,
    %sub3A_582 = arith.subf %gather3A_578, %gather3A_581 : vector<16xf32>
    %get3A_583 = arith.constant 0 : i64
    %get3A_584 = arith.index_cast %get3A_583 : i64 to index
    %get3A_585 = arith.constant 0 : index
    %get3A_586 = tpu.vector_load %arg6[%get3A_584, %get3A_585] {strides = array<i32>} : memref<6x16xf32, #tpu.memory_space<vmem>>, vector<16xf32>,
    %mul3A_587 = arith.mulf %sub3A_582, %get3A_586 : vector<16xf32>
    %add3A_588 = arith.addf %broadcast_in_dim3A_573, %mul3A_587 : vector<16xf32>
    %broadcast_in_dim3A_589 = arith.constant 1 : i32
    %broadcast_in_dim3A_590 = vector.broadcast %broadcast_in_dim3A_589 : i32 to vector<16xi32>
    %broadcast_in_dim3A_591 = arith.constant 0 : i32
    %broadcast_in_dim3A_592 = vector.broadcast %broadcast_in_dim3A_591 : i32 to vector<16xi32>
    %gather3A_593 = tpu.vector_load_idx %arg5[%add3A_571, %broadcast_in_dim3A_592, %broadcast_in_dim3A_590] : memref<128x2x10xf32, #tpu.memory_space<vmem>>[vector<16xi32>, vector<16xi32>, vector<16xi32>], vector<16xf32>,
    %broadcast_in_dim3A_594 = arith.constant 1 : i32
    %broadcast_in_dim3A_595 = vector.broadcast %broadcast_in_dim3A_594 : i32 to vector<16xi32>
    %gather3A_596 = tpu.vector_load_idx %arg5[%add3A_571, %broadcast_in_dim3A_595, %broadcast_in_dim3A_590] : memref<128x2x10xf32, #tpu.memory_space<vmem>>[vector<16xi32>, vector<16xi32>, vector<16xi32>], vector<16xf32>,
    %sub3A_597 = arith.subf %gather3A_593, %gather3A_596 : vector<16xf32>
    %get3A_598 = arith.constant 1 : i64
    %get3A_599 = arith.index_cast %get3A_598 : i64 to index
    %get3A_600 = arith.constant 0 : index
    %get3A_601 = tpu.vector_load %arg6[%get3A_599, %get3A_600] {strides = array<i32>} : memref<6x16xf32, #tpu.memory_space<vmem>>, vector<16xf32>,
    %mul3A_602 = arith.mulf %sub3A_597, %get3A_601 : vector<16xf32>
    %add3A_603 = arith.addf %add3A_588, %mul3A_602 : vector<16xf32>
    %broadcast_in_dim3A_604 = arith.constant 2 : i32
    %broadcast_in_dim3A_605 = vector.broadcast %broadcast_in_dim3A_604 : i32 to vector<16xi32>
    %broadcast_in_dim3A_606 = arith.constant 0 : i32
    %broadcast_in_dim3A_607 = vector.broadcast %broadcast_in_dim3A_606 : i32 to vector<16xi32>
    %gather3A_608 = tpu.vector_load_idx %arg5[%add3A_571, %broadcast_in_dim3A_607, %broadcast_in_dim3A_605] : memref<128x2x10xf32, #tpu.memory_space<vmem>>[vector<16xi32>, vector<16xi32>, vector<16xi32>], vector<16xf32>,
    %broadcast_in_dim3A_609 = arith.constant 1 : i32
    %broadcast_in_dim3A_610 = vector.broadcast %broadcast_in_dim3A_609 : i32 to vector<16xi32>
    %gather3A_611 = tpu.vector_load_idx %arg5[%add3A_571, %broadcast_in_dim3A_610, %broadcast_in_dim3A_605] : memref<128x2x10xf32, #tpu.memory_space<vmem>>[vector<16xi32>, vector<16xi32>, vector<16xi32>], vector<16xf32>,
    %sub3A_612 = arith.subf %gather3A_608, %gather3A_611 : vector<16xf32>
    %get3A_613 = arith.constant 2 : i64
    %get3A_614 = arith.index_cast %get3A_613 : i64 to index
    %get3A_615 = arith.constant 0 : index
    %get3A_616 = tpu.vector_load %arg6[%get3A_614, %get3A_615] {strides = array<i32>} : memref<6x16xf32, #tpu.memory_space<vmem>>, vector<16xf32>,
    %mul3A_617 = arith.mulf %sub3A_612, %get3A_616 : vector<16xf32>
    %add3A_618 = arith.addf %add3A_603, %mul3A_617 : vector<16xf32>
    %broadcast_in_dim3A_619 = arith.constant 3 : i32
    %broadcast_in_dim3A_620 = vector.broadcast %broadcast_in_dim3A_619 : i32 to vector<16xi32>
    %broadcast_in_dim3A_621 = arith.constant 0 : i32
    %broadcast_in_dim3A_622 = vector.broadcast %broadcast_in_dim3A_621 : i32 to vector<16xi32>
    %gather3A_623 = tpu.vector_load_idx %arg5[%add3A_571, %broadcast_in_dim3A_622, %broadcast_in_dim3A_620] : memref<128x2x10xf32, #tpu.memory_space<vmem>>[vector<16xi32>, vector<16xi32>, vector<16xi32>], vector<16xf32>,
    %broadcast_in_dim3A_624 = arith.constant 1 : i32
    %broadcast_in_dim3A_625 = vector.broadcast %broadcast_in_dim3A_624 : i32 to vector<16xi32>
    %gather3A_626 = tpu.vector_load_idx %arg5[%add3A_571, %broadcast_in_dim3A_625, %broadcast_in_dim3A_620] : memref<128x2x10xf32, #tpu.memory_space<vmem>>[vector<16xi32>, vector<16xi32>, vector<16xi32>], vector<16xf32>,
    %sub3A_627 = arith.subf %gather3A_623, %gather3A_626 : vector<16xf32>
    %get3A_628 = arith.constant 3 : i64
    %get3A_629 = arith.index_cast %get3A_628 : i64 to index
    %get3A_630 = arith.constant 0 : index
    %get3A_631 = tpu.vector_load %arg6[%get3A_629, %get3A_630] {strides = array<i32>} : memref<6x16xf32, #tpu.memory_space<vmem>>, vector<16xf32>,
    %mul3A_632 = arith.mulf %sub3A_627, %get3A_631 : vector<16xf32>
    %add3A_633 = arith.addf %add3A_618, %mul3A_632 : vector<16xf32>
    %broadcast_in_dim3A_634 = arith.constant 4 : i32
    %broadcast_in_dim3A_635 = vector.broadcast %broadcast_in_dim3A_634 : i32 to vector<16xi32>
    %broadcast_in_dim3A_636 = arith.constant 0 : i32
    %broadcast_in_dim3A_637 = vector.broadcast %broadcast_in_dim3A_636 : i32 to vector<16xi32>
    %gather3A_638 = tpu.vector_load_idx %arg5[%add3A_571, %broadcast_in_dim3A_637, %broadcast_in_dim3A_635] : memref<128x2x10xf32, #tpu.memory_space<vmem>>[vector<16xi32>, vector<16xi32>, vector<16xi32>], vector<16xf32>,
    %broadcast_in_dim3A_639 = arith.constant 1 : i32
    %broadcast_in_dim3A_640 = vector.broadcast %broadcast_in_dim3A_639 : i32 to vector<16xi32>
    %gather3A_641 = tpu.vector_load_idx %arg5[%add3A_571, %broadcast_in_dim3A_640, %broadcast_in_dim3A_635] : memref<128x2x10xf32, #tpu.memory_space<vmem>>[vector<16xi32>, vector<16xi32>, vector<16xi32>], vector<16xf32>,
    %sub3A_642 = arith.subf %gather3A_638, %gather3A_641 : vector<16xf32>
    %get3A_643 = arith.constant 4 : i64
    %get3A_644 = arith.index_cast %get3A_643 : i64 to index
    %get3A_645 = arith.constant 0 : index
    %get3A_646 = tpu.vector_load %arg6[%get3A_644, %get3A_645] {strides = array<i32>} : memref<6x16xf32, #tpu.memory_space<vmem>>, vector<16xf32>,
    %mul3A_647 = arith.mulf %sub3A_642, %get3A_646 : vector<16xf32>
    %add3A_648 = arith.addf %add3A_633, %mul3A_647 : vector<16xf32>
    %broadcast_in_dim3A_649 = arith.constant 5 : i32
    %broadcast_in_dim3A_650 = vector.broadcast %broadcast_in_dim3A_649 : i32 to vector<16xi32>
    %broadcast_in_dim3A_651 = arith.constant 0 : i32
    %broadcast_in_dim3A_652 = vector.broadcast %broadcast_in_dim3A_651 : i32 to vector<16xi32>
    %gather3A_653 = tpu.vector_load_idx %arg5[%add3A_571, %broadcast_in_dim3A_652, %broadcast_in_dim3A_650] : memref<128x2x10xf32, #tpu.memory_space<vmem>>[vector<16xi32>, vector<16xi32>, vector<16xi32>], vector<16xf32>,
    %broadcast_in_dim3A_654 = arith.constant 1 : i32
    %broadcast_in_dim3A_655 = vector.broadcast %broadcast_in_dim3A_654 : i32 to vector<16xi32>
    %gather3A_656 = tpu.vector_load_idx %arg5[%add3A_571, %broadcast_in_dim3A_655, %broadcast_in_dim3A_650] : memref<128x2x10xf32, #tpu.memory_space<vmem>>[vector<16xi32>, vector<16xi32>, vector<16xi32>], vector<16xf32>,
    %sub3A_657 = arith.subf %gather3A_653, %gather3A_656 : vector<16xf32>
    %get3A_658 = arith.constant 5 : i64
    %get3A_659 = arith.index_cast %get3A_658 : i64 to index
    %get3A_660 = arith.constant 0 : index
    %get3A_661 = tpu.vector_load %arg6[%get3A_659, %get3A_660] {strides = array<i32>} : memref<6x16xf32, #tpu.memory_space<vmem>>, vector<16xf32>,
    %mul3A_662 = arith.mulf %sub3A_657, %get3A_661 : vector<16xf32>
    %add3A_663 = arith.addf %add3A_648, %mul3A_662 : vector<16xf32>
    %neg3A_664 = arith.constant 0.000000e+00 : f32
    %neg3A_665 = vector.broadcast %neg3A_664 : f32 to vector<16xf32>
    %neg3A_666 = arith.subf %neg3A_665, %add3A_663 : vector<16xf32>
    %exp3A_667 = math.exp %neg3A_666 : vector<16xf32>
    %add3A_668 = arith.constant 1.000000e+00 : f32
    %add3A_669 = vector.broadcast %add3A_668 : f32 to vector<16xf32>
    %add3A_670 = arith.addf %add3A_669, %exp3A_667 : vector<16xf32>
    %div3A_671 = arith.constant 1.000000e+00 : f32
    %div3A_672 = vector.broadcast %div3A_671 : f32 to vector<16xf32>
    %div3A_673 = arith.divf %div3A_672, %add3A_670 : vector<16xf32>
    %add3A_674 = arith.constant 160 : i32
    %add3A_675 = vector.broadcast %add3A_674 : i32 to vector<16xi32>
    %add3A_676 = arith.addi %mul3A_5, %add3A_675 : vector<16xi32>
    tpu.vector_store_idx %arg7[%add3A_676], %div3A_673 : memref<256xf32, #tpu.memory_space<vmem>>[vector<16xi32>], vector<16xf32>,
    %add3A_677 = arith.constant 1 : i32
    %add3A_678 = vector.broadcast %add3A_677 : i32 to vector<16xi32>
    %add3A_679 = arith.addi %add3A_676, %add3A_678 : vector<16xi32>
    %sub3A_680 = arith.constant 1.000000e+00 : f32
    %sub3A_681 = vector.broadcast %sub3A_680 : f32 to vector<16xf32>
    %sub3A_682 = arith.subf %sub3A_681, %div3A_673 : vector<16xf32>
    tpu.vector_store_idx %arg7[%add3A_679], %sub3A_682 : memref<256xf32, #tpu.memory_space<vmem>>[vector<16xi32>], vector<16xf32>,
    %add3A_683 = arith.constant 96 : i32
    %add3A_684 = vector.broadcast %add3A_683 : i32 to vector<16xi32>
    %add3A_685 = arith.addi %iota3A, %add3A_684 : vector<16xi32>
    %broadcast_in_dim3A_686 = arith.constant 0.000000e+00 : f32
    %broadcast_in_dim3A_687 = vector.broadcast %broadcast_in_dim3A_686 : f32 to vector<16xf32>
    %broadcast_in_dim3A_688 = arith.constant 0 : i32
    %broadcast_in_dim3A_689 = vector.broadcast %broadcast_in_dim3A_688 : i32 to vector<16xi32>
    %broadcast_in_dim3A_690 = arith.constant 0 : i32
    %broadcast_in_dim3A_691 = vector.broadcast %broadcast_in_dim3A_690 : i32 to vector<16xi32>
    %gather3A_692 = tpu.vector_load_idx %arg5[%add3A_685, %broadcast_in_dim3A_691, %broadcast_in_dim3A_689] : memref<128x2x10xf32, #tpu.memory_space<vmem>>[vector<16xi32>, vector<16xi32>, vector<16xi32>], vector<16xf32>,
    %broadcast_in_dim3A_693 = arith.constant 1 : i32
    %broadcast_in_dim3A_694 = vector.broadcast %broadcast_in_dim3A_693 : i32 to vector<16xi32>
    %gather3A_695 = tpu.vector_load_idx %arg5[%add3A_685, %broadcast_in_dim3A_694, %broadcast_in_dim3A_689] : memref<128x2x10xf32, #tpu.memory_space<vmem>>[vector<16xi32>, vector<16xi32>, vector<16xi32>], vector<16xf32>,
    %sub3A_696 = arith.subf %gather3A_692, %gather3A_695 : vector<16xf32>
    %get3A_697 = arith.constant 0 : i64
    %get3A_698 = arith.index_cast %get3A_697 : i64 to index
    %get3A_699 = arith.constant 0 : index
    %get3A_700 = tpu.vector_load %arg6[%get3A_698, %get3A_699] {strides = array<i32>} : memref<6x16xf32, #tpu.memory_space<vmem>>, vector<16xf32>,
    %mul3A_701 = arith.mulf %sub3A_696, %get3A_700 : vector<16xf32>
    %add3A_702 = arith.addf %broadcast_in_dim3A_687, %mul3A_701 : vector<16xf32>
    %broadcast_in_dim3A_703 = arith.constant 1 : i32
    %broadcast_in_dim3A_704 = vector.broadcast %broadcast_in_dim3A_703 : i32 to vector<16xi32>
    %broadcast_in_dim3A_705 = arith.constant 0 : i32
    %broadcast_in_dim3A_706 = vector.broadcast %broadcast_in_dim3A_705 : i32 to vector<16xi32>
    %gather3A_707 = tpu.vector_load_idx %arg5[%add3A_685, %broadcast_in_dim3A_706, %broadcast_in_dim3A_704] : memref<128x2x10xf32, #tpu.memory_space<vmem>>[vector<16xi32>, vector<16xi32>, vector<16xi32>], vector<16xf32>,
    %broadcast_in_dim3A_708 = arith.constant 1 : i32
    %broadcast_in_dim3A_709 = vector.broadcast %broadcast_in_dim3A_708 : i32 to vector<16xi32>
    %gather3A_710 = tpu.vector_load_idx %arg5[%add3A_685, %broadcast_in_dim3A_709, %broadcast_in_dim3A_704] : memref<128x2x10xf32, #tpu.memory_space<vmem>>[vector<16xi32>, vector<16xi32>, vector<16xi32>], vector<16xf32>,
    %sub3A_711 = arith.subf %gather3A_707, %gather3A_710 : vector<16xf32>
    %get3A_712 = arith.constant 1 : i64
    %get3A_713 = arith.index_cast %get3A_712 : i64 to index
    %get3A_714 = arith.constant 0 : index
    %get3A_715 = tpu.vector_load %arg6[%get3A_713, %get3A_714] {strides = array<i32>} : memref<6x16xf32, #tpu.memory_space<vmem>>, vector<16xf32>,
    %mul3A_716 = arith.mulf %sub3A_711, %get3A_715 : vector<16xf32>
    %add3A_717 = arith.addf %add3A_702, %mul3A_716 : vector<16xf32>
    %broadcast_in_dim3A_718 = arith.constant 2 : i32
    %broadcast_in_dim3A_719 = vector.broadcast %broadcast_in_dim3A_718 : i32 to vector<16xi32>
    %broadcast_in_dim3A_720 = arith.constant 0 : i32
    %broadcast_in_dim3A_721 = vector.broadcast %broadcast_in_dim3A_720 : i32 to vector<16xi32>
    %gather3A_722 = tpu.vector_load_idx %arg5[%add3A_685, %broadcast_in_dim3A_721, %broadcast_in_dim3A_719] : memref<128x2x10xf32, #tpu.memory_space<vmem>>[vector<16xi32>, vector<16xi32>, vector<16xi32>], vector<16xf32>,
    %broadcast_in_dim3A_723 = arith.constant 1 : i32
    %broadcast_in_dim3A_724 = vector.broadcast %broadcast_in_dim3A_723 : i32 to vector<16xi32>
    %gather3A_725 = tpu.vector_load_idx %arg5[%add3A_685, %broadcast_in_dim3A_724, %broadcast_in_dim3A_719] : memref<128x2x10xf32, #tpu.memory_space<vmem>>[vector<16xi32>, vector<16xi32>, vector<16xi32>], vector<16xf32>,
    %sub3A_726 = arith.subf %gather3A_722, %gather3A_725 : vector<16xf32>
    %get3A_727 = arith.constant 2 : i64
    %get3A_728 = arith.index_cast %get3A_727 : i64 to index
    %get3A_729 = arith.constant 0 : index
    %get3A_730 = tpu.vector_load %arg6[%get3A_728, %get3A_729] {strides = array<i32>} : memref<6x16xf32, #tpu.memory_space<vmem>>, vector<16xf32>,
    %mul3A_731 = arith.mulf %sub3A_726, %get3A_730 : vector<16xf32>
    %add3A_732 = arith.addf %add3A_717, %mul3A_731 : vector<16xf32>
    %broadcast_in_dim3A_733 = arith.constant 3 : i32
    %broadcast_in_dim3A_734 = vector.broadcast %broadcast_in_dim3A_733 : i32 to vector<16xi32>
    %broadcast_in_dim3A_735 = arith.constant 0 : i32
    %broadcast_in_dim3A_736 = vector.broadcast %broadcast_in_dim3A_735 : i32 to vector<16xi32>
    %gather3A_737 = tpu.vector_load_idx %arg5[%add3A_685, %broadcast_in_dim3A_736, %broadcast_in_dim3A_734] : memref<128x2x10xf32, #tpu.memory_space<vmem>>[vector<16xi32>, vector<16xi32>, vector<16xi32>], vector<16xf32>,
    %broadcast_in_dim3A_738 = arith.constant 1 : i32
    %broadcast_in_dim3A_739 = vector.broadcast %broadcast_in_dim3A_738 : i32 to vector<16xi32>
    %gather3A_740 = tpu.vector_load_idx %arg5[%add3A_685, %broadcast_in_dim3A_739, %broadcast_in_dim3A_734] : memref<128x2x10xf32, #tpu.memory_space<vmem>>[vector<16xi32>, vector<16xi32>, vector<16xi32>], vector<16xf32>,
    %sub3A_741 = arith.subf %gather3A_737, %gather3A_740 : vector<16xf32>
    %get3A_742 = arith.constant 3 : i64
    %get3A_743 = arith.index_cast %get3A_742 : i64 to index
    %get3A_744 = arith.constant 0 : index
    %get3A_745 = tpu.vector_load %arg6[%get3A_743, %get3A_744] {strides = array<i32>} : memref<6x16xf32, #tpu.memory_space<vmem>>, vector<16xf32>,
    %mul3A_746 = arith.mulf %sub3A_741, %get3A_745 : vector<16xf32>
    %add3A_747 = arith.addf %add3A_732, %mul3A_746 : vector<16xf32>
    %broadcast_in_dim3A_748 = arith.constant 4 : i32
    %broadcast_in_dim3A_749 = vector.broadcast %broadcast_in_dim3A_748 : i32 to vector<16xi32>
    %broadcast_in_dim3A_750 = arith.constant 0 : i32
    %broadcast_in_dim3A_751 = vector.broadcast %broadcast_in_dim3A_750 : i32 to vector<16xi32>
    %gather3A_752 = tpu.vector_load_idx %arg5[%add3A_685, %broadcast_in_dim3A_751, %broadcast_in_dim3A_749] : memref<128x2x10xf32, #tpu.memory_space<vmem>>[vector<16xi32>, vector<16xi32>, vector<16xi32>], vector<16xf32>,
    %broadcast_in_dim3A_753 = arith.constant 1 : i32
    %broadcast_in_dim3A_754 = vector.broadcast %broadcast_in_dim3A_753 : i32 to vector<16xi32>
    %gather3A_755 = tpu.vector_load_idx %arg5[%add3A_685, %broadcast_in_dim3A_754, %broadcast_in_dim3A_749] : memref<128x2x10xf32, #tpu.memory_space<vmem>>[vector<16xi32>, vector<16xi32>, vector<16xi32>], vector<16xf32>,
    %sub3A_756 = arith.subf %gather3A_752, %gather3A_755 : vector<16xf32>
    %get3A_757 = arith.constant 4 : i64
    %get3A_758 = arith.index_cast %get3A_757 : i64 to index
    %get3A_759 = arith.constant 0 : index
    %get3A_760 = tpu.vector_load %arg6[%get3A_758, %get3A_759] {strides = array<i32>} : memref<6x16xf32, #tpu.memory_space<vmem>>, vector<16xf32>,
    %mul3A_761 = arith.mulf %sub3A_756, %get3A_760 : vector<16xf32>
    %add3A_762 = arith.addf %add3A_747, %mul3A_761 : vector<16xf32>
    %broadcast_in_dim3A_763 = arith.constant 5 : i32
    %broadcast_in_dim3A_764 = vector.broadcast %broadcast_in_dim3A_763 : i32 to vector<16xi32>
    %broadcast_in_dim3A_765 = arith.constant 0 : i32
    %broadcast_in_dim3A_766 = vector.broadcast %broadcast_in_dim3A_765 : i32 to vector<16xi32>
    %gather3A_767 = tpu.vector_load_idx %arg5[%add3A_685, %broadcast_in_dim3A_766, %broadcast_in_dim3A_764] : memref<128x2x10xf32, #tpu.memory_space<vmem>>[vector<16xi32>, vector<16xi32>, vector<16xi32>], vector<16xf32>,
    %broadcast_in_dim3A_768 = arith.constant 1 : i32
    %broadcast_in_dim3A_769 = vector.broadcast %broadcast_in_dim3A_768 : i32 to vector<16xi32>
    %gather3A_770 = tpu.vector_load_idx %arg5[%add3A_685, %broadcast_in_dim3A_769, %broadcast_in_dim3A_764] : memref<128x2x10xf32, #tpu.memory_space<vmem>>[vector<16xi32>, vector<16xi32>, vector<16xi32>], vector<16xf32>,
    %sub3A_771 = arith.subf %gather3A_767, %gather3A_770 : vector<16xf32>
    %get3A_772 = arith.constant 5 : i64
    %get3A_773 = arith.index_cast %get3A_772 : i64 to index
    %get3A_774 = arith.constant 0 : index
    %get3A_775 = tpu.vector_load %arg6[%get3A_773, %get3A_774] {strides = array<i32>} : memref<6x16xf32, #tpu.memory_space<vmem>>, vector<16xf32>,
    %mul3A_776 = arith.mulf %sub3A_771, %get3A_775 : vector<16xf32>
    %add3A_777 = arith.addf %add3A_762, %mul3A_776 : vector<16xf32>
    %neg3A_778 = arith.constant 0.000000e+00 : f32
    %neg3A_779 = vector.broadcast %neg3A_778 : f32 to vector<16xf32>
    %neg3A_780 = arith.subf %neg3A_779, %add3A_777 : vector<16xf32>
    %exp3A_781 = math.exp %neg3A_780 : vector<16xf32>
    %add3A_782 = arith.constant 1.000000e+00 : f32
    %add3A_783 = vector.broadcast %add3A_782 : f32 to vector<16xf32>
    %add3A_784 = arith.addf %add3A_783, %exp3A_781 : vector<16xf32>
    %div3A_785 = arith.constant 1.000000e+00 : f32
    %div3A_786 = vector.broadcast %div3A_785 : f32 to vector<16xf32>
    %div3A_787 = arith.divf %div3A_786, %add3A_784 : vector<16xf32>
    %add3A_788 = arith.constant 192 : i32
    %add3A_789 = vector.broadcast %add3A_788 : i32 to vector<16xi32>
    %add3A_790 = arith.addi %mul3A_5, %add3A_789 : vector<16xi32>
    tpu.vector_store_idx %arg7[%add3A_790], %div3A_787 : memref<256xf32, #tpu.memory_space<vmem>>[vector<16xi32>], vector<16xf32>,
    %add3A_791 = arith.constant 1 : i32
    %add3A_792 = vector.broadcast %add3A_791 : i32 to vector<16xi32>
    %add3A_793 = arith.addi %add3A_790, %add3A_792 : vector<16xi32>
    %sub3A_794 = arith.constant 1.000000e+00 : f32
    %sub3A_795 = vector.broadcast %sub3A_794 : f32 to vector<16xf32>
    %sub3A_796 = arith.subf %sub3A_795, %div3A_787 : vector<16xf32>
    tpu.vector_store_idx %arg7[%add3A_793], %sub3A_796 : memref<256xf32, #tpu.memory_space<vmem>>[vector<16xi32>], vector<16xf32>,
    %add3A_797 = arith.constant 112 : i32
    %add3A_798 = vector.broadcast %add3A_797 : i32 to vector<16xi32>
    %add3A_799 = arith.addi %iota3A, %add3A_798 : vector<16xi32>
    %broadcast_in_dim3A_800 = arith.constant 0.000000e+00 : f32
    %broadcast_in_dim3A_801 = vector.broadcast %broadcast_in_dim3A_800 : f32 to vector<16xf32>
    %broadcast_in_dim3A_802 = arith.constant 0 : i32
    %broadcast_in_dim3A_803 = vector.broadcast %broadcast_in_dim3A_802 : i32 to vector<16xi32>
    %broadcast_in_dim3A_804 = arith.constant 0 : i32
    %broadcast_in_dim3A_805 = vector.broadcast %broadcast_in_dim3A_804 : i32 to vector<16xi32>
    %gather3A_806 = tpu.vector_load_idx %arg5[%add3A_799, %broadcast_in_dim3A_805, %broadcast_in_dim3A_803] : memref<128x2x10xf32, #tpu.memory_space<vmem>>[vector<16xi32>, vector<16xi32>, vector<16xi32>], vector<16xf32>,
    %broadcast_in_dim3A_807 = arith.constant 1 : i32
    %broadcast_in_dim3A_808 = vector.broadcast %broadcast_in_dim3A_807 : i32 to vector<16xi32>
    %gather3A_809 = tpu.vector_load_idx %arg5[%add3A_799, %broadcast_in_dim3A_808, %broadcast_in_dim3A_803] : memref<128x2x10xf32, #tpu.memory_space<vmem>>[vector<16xi32>, vector<16xi32>, vector<16xi32>], vector<16xf32>,
    %sub3A_810 = arith.subf %gather3A_806, %gather3A_809 : vector<16xf32>
    %get3A_811 = arith.constant 0 : i64
    %get3A_812 = arith.index_cast %get3A_811 : i64 to index
    %get3A_813 = arith.constant 0 : index
    %get3A_814 = tpu.vector_load %arg6[%get3A_812, %get3A_813] {strides = array<i32>} : memref<6x16xf32, #tpu.memory_space<vmem>>, vector<16xf32>,
    %mul3A_815 = arith.mulf %sub3A_810, %get3A_814 : vector<16xf32>
    %add3A_816 = arith.addf %broadcast_in_dim3A_801, %mul3A_815 : vector<16xf32>
    %broadcast_in_dim3A_817 = arith.constant 1 : i32
    %broadcast_in_dim3A_818 = vector.broadcast %broadcast_in_dim3A_817 : i32 to vector<16xi32>
    %broadcast_in_dim3A_819 = arith.constant 0 : i32
    %broadcast_in_dim3A_820 = vector.broadcast %broadcast_in_dim3A_819 : i32 to vector<16xi32>
    %gather3A_821 = tpu.vector_load_idx %arg5[%add3A_799, %broadcast_in_dim3A_820, %broadcast_in_dim3A_818] : memref<128x2x10xf32, #tpu.memory_space<vmem>>[vector<16xi32>, vector<16xi32>, vector<16xi32>], vector<16xf32>,
    %broadcast_in_dim3A_822 = arith.constant 1 : i32
    %broadcast_in_dim3A_823 = vector.broadcast %broadcast_in_dim3A_822 : i32 to vector<16xi32>
    %gather3A_824 = tpu.vector_load_idx %arg5[%add3A_799, %broadcast_in_dim3A_823, %broadcast_in_dim3A_818] : memref<128x2x10xf32, #tpu.memory_space<vmem>>[vector<16xi32>, vector<16xi32>, vector<16xi32>], vector<16xf32>,
    %sub3A_825 = arith.subf %gather3A_821, %gather3A_824 : vector<16xf32>
    %get3A_826 = arith.constant 1 : i64
    %get3A_827 = arith.index_cast %get3A_826 : i64 to index
    %get3A_828 = arith.constant 0 : index
    %get3A_829 = tpu.vector_load %arg6[%get3A_827, %get3A_828] {strides = array<i32>} : memref<6x16xf32, #tpu.memory_space<vmem>>, vector<16xf32>,
    %mul3A_830 = arith.mulf %sub3A_825, %get3A_829 : vector<16xf32>
    %add3A_831 = arith.addf %add3A_816, %mul3A_830 : vector<16xf32>
    %broadcast_in_dim3A_832 = arith.constant 2 : i32
    %broadcast_in_dim3A_833 = vector.broadcast %broadcast_in_dim3A_832 : i32 to vector<16xi32>
    %broadcast_in_dim3A_834 = arith.constant 0 : i32
    %broadcast_in_dim3A_835 = vector.broadcast %broadcast_in_dim3A_834 : i32 to vector<16xi32>
    %gather3A_836 = tpu.vector_load_idx %arg5[%add3A_799, %broadcast_in_dim3A_835, %broadcast_in_dim3A_833] : memref<128x2x10xf32, #tpu.memory_space<vmem>>[vector<16xi32>, vector<16xi32>, vector<16xi32>], vector<16xf32>,
    %broadcast_in_dim3A_837 = arith.constant 1 : i32
    %broadcast_in_dim3A_838 = vector.broadcast %broadcast_in_dim3A_837 : i32 to vector<16xi32>
    %gather3A_839 = tpu.vector_load_idx %arg5[%add3A_799, %broadcast_in_dim3A_838, %broadcast_in_dim3A_833] : memref<128x2x10xf32, #tpu.memory_space<vmem>>[vector<16xi32>, vector<16xi32>, vector<16xi32>], vector<16xf32>,
    %sub3A_840 = arith.subf %gather3A_836, %gather3A_839 : vector<16xf32>
    %get3A_841 = arith.constant 2 : i64
    %get3A_842 = arith.index_cast %get3A_841 : i64 to index
    %get3A_843 = arith.constant 0 : index
    %get3A_844 = tpu.vector_load %arg6[%get3A_842, %get3A_843] {strides = array<i32>} : memref<6x16xf32, #tpu.memory_space<vmem>>, vector<16xf32>,
    %mul3A_845 = arith.mulf %sub3A_840, %get3A_844 : vector<16xf32>
    %add3A_846 = arith.addf %add3A_831, %mul3A_845 : vector<16xf32>
    %broadcast_in_dim3A_847 = arith.constant 3 : i32
    %broadcast_in_dim3A_848 = vector.broadcast %broadcast_in_dim3A_847 : i32 to vector<16xi32>
    %broadcast_in_dim3A_849 = arith.constant 0 : i32
    %broadcast_in_dim3A_850 = vector.broadcast %broadcast_in_dim3A_849 : i32 to vector<16xi32>
    %gather3A_851 = tpu.vector_load_idx %arg5[%add3A_799, %broadcast_in_dim3A_850, %broadcast_in_dim3A_848] : memref<128x2x10xf32, #tpu.memory_space<vmem>>[vector<16xi32>, vector<16xi32>, vector<16xi32>], vector<16xf32>,
    %broadcast_in_dim3A_852 = arith.constant 1 : i32
    %broadcast_in_dim3A_853 = vector.broadcast %broadcast_in_dim3A_852 : i32 to vector<16xi32>
    %gather3A_854 = tpu.vector_load_idx %arg5[%add3A_799, %broadcast_in_dim3A_853, %broadcast_in_dim3A_848] : memref<128x2x10xf32, #tpu.memory_space<vmem>>[vector<16xi32>, vector<16xi32>, vector<16xi32>], vector<16xf32>,
    %sub3A_855 = arith.subf %gather3A_851, %gather3A_854 : vector<16xf32>
    %get3A_856 = arith.constant 3 : i64
    %get3A_857 = arith.index_cast %get3A_856 : i64 to index
    %get3A_858 = arith.constant 0 : index
    %get3A_859 = tpu.vector_load %arg6[%get3A_857, %get3A_858] {strides = array<i32>} : memref<6x16xf32, #tpu.memory_space<vmem>>, vector<16xf32>,
    %mul3A_860 = arith.mulf %sub3A_855, %get3A_859 : vector<16xf32>
    %add3A_861 = arith.addf %add3A_846, %mul3A_860 : vector<16xf32>
    %broadcast_in_dim3A_862 = arith.constant 4 : i32
    %broadcast_in_dim3A_863 = vector.broadcast %broadcast_in_dim3A_862 : i32 to vector<16xi32>
    %broadcast_in_dim3A_864 = arith.constant 0 : i32
    %broadcast_in_dim3A_865 = vector.broadcast %broadcast_in_dim3A_864 : i32 to vector<16xi32>
    %gather3A_866 = tpu.vector_load_idx %arg5[%add3A_799, %broadcast_in_dim3A_865, %broadcast_in_dim3A_863] : memref<128x2x10xf32, #tpu.memory_space<vmem>>[vector<16xi32>, vector<16xi32>, vector<16xi32>], vector<16xf32>,
    %broadcast_in_dim3A_867 = arith.constant 1 : i32
    %broadcast_in_dim3A_868 = vector.broadcast %broadcast_in_dim3A_867 : i32 to vector<16xi32>
    %gather3A_869 = tpu.vector_load_idx %arg5[%add3A_799, %broadcast_in_dim3A_868, %broadcast_in_dim3A_863] : memref<128x2x10xf32, #tpu.memory_space<vmem>>[vector<16xi32>, vector<16xi32>, vector<16xi32>], vector<16xf32>,
    %sub3A_870 = arith.subf %gather3A_866, %gather3A_869 : vector<16xf32>
    %get3A_871 = arith.constant 4 : i64
    %get3A_872 = arith.index_cast %get3A_871 : i64 to index
    %get3A_873 = arith.constant 0 : index
    %get3A_874 = tpu.vector_load %arg6[%get3A_872, %get3A_873] {strides = array<i32>} : memref<6x16xf32, #tpu.memory_space<vmem>>, vector<16xf32>,
    %mul3A_875 = arith.mulf %sub3A_870, %get3A_874 : vector<16xf32>
    %add3A_876 = arith.addf %add3A_861, %mul3A_875 : vector<16xf32>
    %broadcast_in_dim3A_877 = arith.constant 5 : i32
    %broadcast_in_dim3A_878 = vector.broadcast %broadcast_in_dim3A_877 : i32 to vector<16xi32>
    %broadcast_in_dim3A_879 = arith.constant 0 : i32
    %broadcast_in_dim3A_880 = vector.broadcast %broadcast_in_dim3A_879 : i32 to vector<16xi32>
    %gather3A_881 = tpu.vector_load_idx %arg5[%add3A_799, %broadcast_in_dim3A_880, %broadcast_in_dim3A_878] : memref<128x2x10xf32, #tpu.memory_space<vmem>>[vector<16xi32>, vector<16xi32>, vector<16xi32>], vector<16xf32>,
    %broadcast_in_dim3A_882 = arith.constant 1 : i32
    %broadcast_in_dim3A_883 = vector.broadcast %broadcast_in_dim3A_882 : i32 to vector<16xi32>
    %gather3A_884 = tpu.vector_load_idx %arg5[%add3A_799, %broadcast_in_dim3A_883, %broadcast_in_dim3A_878] : memref<128x2x10xf32, #tpu.memory_space<vmem>>[vector<16xi32>, vector<16xi32>, vector<16xi32>], vector<16xf32>,
    %sub3A_885 = arith.subf %gather3A_881, %gather3A_884 : vector<16xf32>
    %get3A_886 = arith.constant 5 : i64
    %get3A_887 = arith.index_cast %get3A_886 : i64 to index
    %get3A_888 = arith.constant 0 : index
    %get3A_889 = tpu.vector_load %arg6[%get3A_887, %get3A_888] {strides = array<i32>} : memref<6x16xf32, #tpu.memory_space<vmem>>, vector<16xf32>,
    %mul3A_890 = arith.mulf %sub3A_885, %get3A_889 : vector<16xf32>
    %add3A_891 = arith.addf %add3A_876, %mul3A_890 : vector<16xf32>
    %neg3A_892 = arith.constant 0.000000e+00 : f32
    %neg3A_893 = vector.broadcast %neg3A_892 : f32 to vector<16xf32>
    %neg3A_894 = arith.subf %neg3A_893, %add3A_891 : vector<16xf32>
    %exp3A_895 = math.exp %neg3A_894 : vector<16xf32>
    %add3A_896 = arith.constant 1.000000e+00 : f32
    %add3A_897 = vector.broadcast %add3A_896 : f32 to vector<16xf32>
    %add3A_898 = arith.addf %add3A_897, %exp3A_895 : vector<16xf32>
    %div3A_899 = arith.constant 1.000000e+00 : f32
    %div3A_900 = vector.broadcast %div3A_899 : f32 to vector<16xf32>
    %div3A_901 = arith.divf %div3A_900, %add3A_898 : vector<16xf32>
    %add3A_902 = arith.constant 224 : i32
    %add3A_903 = vector.broadcast %add3A_902 : i32 to vector<16xi32>
    %add3A_904 = arith.addi %mul3A_5, %add3A_903 : vector<16xi32>
    tpu.vector_store_idx %arg7[%add3A_904], %div3A_901 : memref<256xf32, #tpu.memory_space<vmem>>[vector<16xi32>], vector<16xf32>,
    %add3A_905 = arith.constant 1 : i32
    %add3A_906 = vector.broadcast %add3A_905 : i32 to vector<16xi32>
    %add3A_907 = arith.addi %add3A_904, %add3A_906 : vector<16xi32>
    %sub3A_908 = arith.constant 1.000000e+00 : f32
    %sub3A_909 = vector.broadcast %sub3A_908 : f32 to vector<16xf32>
    %sub3A_910 = arith.subf %sub3A_909, %div3A_901 : vector<16xf32>
    tpu.vector_store_idx %arg7[%add3A_907], %sub3A_910 : memref<256xf32, #tpu.memory_space<vmem>>[vector<16xi32>], vector<16xf32>,
    %mul3A_911 = arith.constant 256 : i32
    %mul3A_912 = arith.muli %add3A, %mul3A_911 : i32
    "tpu.region"() ({
      %run_scoped3A = tpu.sem_alloc : memref<!tpu.dma_semaphore, #tpu.memory_space<semaphore_mem>>
      %dma_start3A = tpu.memref_slice %arg4[%mul3A_912] : memref<8192xf32, #tpu.memory_space<hbm>> -> memref<256xf32, #tpu.memory_space<hbm>>
      %dma_start3A_913 = tpu.memref_slice %arg4[%mul3A_912] : memref<8192xf32, #tpu.memory_space<hbm>> -> memref<256xf32, #tpu.memory_space<hbm>>
      tpu.enqueue_dma source(%arg7 : memref<256xf32, #tpu.memory_space<vmem>>) target(%dma_start3A_913 : memref<256xf32, #tpu.memory_space<hbm>>) target_semaphore(%run_scoped3A : memref<!tpu.dma_semaphore, #tpu.memory_space<semaphore_mem>>)
      %dma_wait3A = tpu.memref_slice %arg4[%mul3A_912] : memref<8192xf32, #tpu.memory_space<hbm>> -> memref<256xf32, #tpu.memory_space<hbm>>
      %dma_wait3A_914 = tpu.memref_slice %arg4[%mul3A_912] : memref<8192xf32, #tpu.memory_space<hbm>> -> memref<256xf32, #tpu.memory_space<hbm>>
      tpu.wait_dma2 semaphore(%run_scoped3A : memref<!tpu.dma_semaphore, #tpu.memory_space<semaphore_mem>>) src(%arg7 : memref<256xf32, #tpu.memory_space<vmem>>) dst(%dma_wait3A_914 : memref<256xf32, #tpu.memory_space<hbm>>)
      tpu.yield
    }) : () -> ()
    return
  }
}

</mosaic_0001>

<sc_bundles>
// kernel: kernel.3.cloned.1.call-start
scs
__scs_entry_jumppad:
0x0: {  	(pc) =	sbr.rel $0x88, $3  }
0x1: {  	(tag) =	ssettag $0x0;
	lr =	simm.s32 $0x1  }
0x2: {  	[smem:$0x3F9F] =	sst lr;
	_ =	strace $0xD0000000  }
0x3: {  	_ = 	snop  }
0x4: {  	_ = 	snop  }
0x5: {  	_ = 	snop  }
0x6: {  	_ = 	snop  }
0x7: {  	_ = 	snop  }
__scs_overlays_trampoline_lowered:
0x8: {  	[smem:$0x3FAE] =	sst s0  }
0x9: {  	[smem:$0x3FAF] =	sst s1  }
0xa: {  	[smem:$0x3FB0] =	sst s2  }
0xb: {  	[smem:$0x3FB1] =	sst s3  }
0xc: {  	[smem:$0x3FB2] =	sst s4  }
0xd: {  	[smem:$0x3FB3] =	sst s5  }
0xe: {  	[smem:$0x3FB4] =	sst s6  }
0xf: {  	[smem:$0x3FB5] =	sst s7  }
0x10: {  	[smem:$0x3FB6] =	sst s8  }
0x11: {  	[smem:$0x3FB7] =	sst s9;
	s0 =	simm.s32 @!p0 $0x0  }
0x12: {  	s1 =	sld [smem:$0x3F9D];
	s0 =	simm.s32 @p0 $0x1  }
0x13: {  	[smem:$0x3FB8] =	sst s0;
	s0 =	simm.s32 @!p1 $0x0  }
0x14: {  	s2 =	sld [smem:$0x3F9C];
	s0 =	simm.s32 @p1 $0x1  }
0x15: {  	[smem:$0x3FB9] =	sst s0;
	s0 =	simm.s32 @!p2 $0x0  }
0x16: {  	s3 =	sld [smem:$0x3FDB];
	s0 =	simm.s32 @p2 $0x1  }
0x17: {  	s4 =	simm.s32 $0x1BF5;
	[smem:$0x3FBB] =	sst s0  }
0x18: {  	s0 =	sld [smem:$0x3F9E];
	_ =	swait.ge [sflag:s4], $0x0  }
0x19: {  	s7 =	sld [smem:$0x3F9F]  }
0x1a: {  	s8 =	sadd.s32 $0xFFFFE003, lr  }
0x1b: {  	s9 =	sadd.s32 $0xFFFFFEF7, lr;
	s5 =	simm.s32 $0xFFFFFFFF;
	p2 =	slt.u32 s8, $0xFFFFF086  }
0x1c: {  	p1 =	slt.u32 s9, $0xF7A;
	s5 =	simm.s32 @!p2 $0x0  }
0x1d: {  	s5 =	simm.s32 @p1 $0x1;
	p0 =	seq.s32 s7, s2  }
0x1e: {  	s7 =	smul.u32 @!p0 $0xF7A, s2;
	p2 =	seq.s32 @!p0 s5, $0x0  }
0x1f: {  	s9 =	smul.u32 $0xF7A, s1;
	s8 =	simm.s32 @!p0 $0x1BF5;
	p2 =	por !p2, p0  }
0x20: {  	[sflag:s8] =	ssyncset.s32 @!p0 $0xFFFFF086;
	s6 =	sadd.s32 @!p0 s3, s7;
	s7 =	simm.s32 @!p0 $0x108  }
0x21: {  	s3 =	sadd.s32 s3, s9;
	s6 =	sadd.s32 @!p0 $0x88, s6;
	s7 =	simm.s32 @p2 $0x1082  }
0x22: {  	[simem:s7], [sflag:s8] =	dma.local @!p0 [hbm:s6], $0xF7A  }
0x23: {  	s9 =	sor.u32 $0xD0000000, s2;
	s6 =	simm.s32 $0x108;
	_ =	swait.ge @!p0 [sflag:s8], $0x0  }
0x24: {  	s3 =	sadd.s32 $0x88, s3;
	s6 =	simm.s32 @!p1 $0x1082;
	[sflag:s4] =	ssyncset.s32 $0xFFFFF086  }
0x25: {  	[simem:s6], [sflag:s4] =	dma.local [hbm:s3], $0xF7A  }
0x26: {  	[smem:$0x3F9F] =	sst s1;
	(tag) =	ssettag s2;
	_ =	strace s9  }
0x27: {  	s1 =	sld [smem:$0x3FAF]  }
0x28: {  	s2 =	sld [smem:$0x3FB0]  }
0x29: {  	s4 =	sld [smem:$0x3FB2]  }
0x2a: {  	p0 =	seq.s32 s5, $0x0;
	s5 =	sld [smem:$0x3FB3]  }
0x2b: {  	s6 =	sld [smem:$0x3FB4]  }
0x2c: {  	s7 =	sld [smem:$0x3FB5]  }
0x2d: {  	s3 =	simm.s32 $0x108;
	s8 =	sld [smem:$0x3FB6]  }
0x2e: {  	s3 =	simm.s32 @!p0 $0x1082;
	s9 =	sld [smem:$0x3FB7]  }
0x2f: {  	lr =	sadd.s32 s0, s3;
	s0 =	sld [smem:$0x3FAE]  }
0x30: {  	s3 =	sld [smem:$0x3FB1]  }
0x31: {  	[smem:$0x3FBA] =	sst s10  }
0x32: {  	s10 =	sld [smem:$0x3FB8];
	_ =	sdelay $0x3  }
0x33: {  	p0 =	seq.s32 s10, $0x1;
	s10 =	sld [smem:$0x3FBA];
	_ =	sdelay $0x3  }
0x34: {  	[smem:$0x3FBA] =	sst s10  }
0x35: {  	s10 =	sld [smem:$0x3FB9];
	_ =	sdelay $0x3  }
0x36: {  	p1 =	seq.s32 s10, $0x1;
	s10 =	sld [smem:$0x3FBA];
	_ =	sdelay $0x3  }
0x37: {  	[smem:$0x3FBA] =	sst s10  }
0x38: {  	s10 =	sld [smem:$0x3FBB]  }
0x39: {  	_ = 	snop;
	(pc) =	sbr.ind lr, $3  }
0x3a: {  	_ = 	snop  }
0x3b: {  	_ = 	snop  }
0x3c: {  	p2 =	seq.s32 s10, $0x1;
	s10 =	sld [smem:$0x3FBA]  }
0x3d: {  	_ =	shalt  }
0x3e: {  	_ =	shalt  }
0x3f: {  	_ =	shalt  }
0x40: {  	_ =	shalt  }
0x41: {  	_ =	shalt  }
0x42: {  	_ =	shalt  }
0x43: {  	_ =	shalt  }
0x44: {  	_ =	shalt  }
0x45: {  	_ =	shalt  }
0x46: {  	_ =	shalt  }
0x47: {  	_ =	shalt  }
0x48: {  	_ =	shalt  }
0x49: {  	_ =	shalt  }
0x4a: {  	_ =	shalt  }
0x4b: {  	_ =	shalt  }
0x4c: {  	_ =	shalt  }
0x4d: {  	_ =	shalt  }
0x4e: {  	_ =	shalt  }
0x4f: {  	_ =	shalt  }
0x50: {  	_ =	shalt  }
0x51: {  	_ =	shalt  }
0x52: {  	_ =	shalt  }
0x53: {  	_ =	shalt  }
0x54: {  	_ =	shalt  }
0x55: {  	_ =	shalt  }
0x56: {  	_ =	shalt  }
0x57: {  	_ =	shalt  }
0x58: {  	_ =	shalt  }
0x59: {  	_ =	shalt  }
0x5a: {  	_ =	shalt  }
0x5b: {  	_ =	shalt  }
0x5c: {  	_ =	shalt  }
0x5d: {  	_ =	shalt  }
0x5e: {  	_ =	shalt  }
0x5f: {  	_ =	shalt  }
0x60: {  	_ =	shalt  }
0x61: {  	_ =	shalt  }
0x62: {  	_ =	shalt  }
0x63: {  	_ =	shalt  }
0x64: {  	_ =	shalt  }
0x65: {  	_ =	shalt  }
0x66: {  	_ =	shalt  }
0x67: {  	_ =	shalt  }
0x68: {  	_ =	shalt  }
0x69: {  	_ =	shalt  }
0x6a: {  	_ =	shalt  }
0x6b: {  	_ =	shalt  }
0x6c: {  	_ =	shalt  }
0x6d: {  	_ =	shalt  }
0x6e: {  	_ =	shalt  }
0x6f: {  	_ =	shalt  }
0x70: {  	_ =	shalt  }
0x71: {  	_ =	shalt  }
0x72: {  	_ =	shalt  }
0x73: {  	_ =	shalt  }
0x74: {  	_ =	shalt  }
0x75: {  	_ =	shalt  }
0x76: {  	_ =	shalt  }
0x77: {  	_ =	shalt  }
0x78: {  	_ =	shalt  }
0x79: {  	_ =	shalt  }
0x7a: {  	_ =	shalt  }
0x7b: {  	_ =	shalt  }
0x7c: {  	_ =	shalt  }
0x7d: {  	_ =	shalt  }
0x7e: {  	_ =	shalt  }
0x7f: {  	_ =	shalt  }
0x80: {  	_ =	shalt  }
0x81: {  	_ =	shalt  }
0x82: {  	_ =	shalt  }
0x83: {  	_ =	shalt  }
0x84: {  	_ =	shalt  }
0x85: {  	_ =	shalt  }
0x86: {  	_ =	shalt  }
0x87: {  	_ =	shalt  }
.Lfunc_end0:
.L_simem_size_0:
called_computation_lowered:
.L_overlay_start_0:
0x88: {  	s2 =	sld [smem:$0x3FD9]  }
0x89: {  	s3 =	sld [smem:$0x3FFE];
	_ =	sdelay $0x1  }
0x8a: {  	s1 =	srdreg.scid  }
0x8b: {  	s0 =	sand.u32 $0x1, s1  }
0x8c: {  	s17 =	sshll.u32 s0, $0xA;
	s2 =	sadd.s32 s3, s2  }
0x8d: {  	s2 =	sadd.s32 s2, s17  }
0x8e: {  	[smem:$0x3FC6] =	sst s2  }
0x8f: {  	_ = 	snop  }
0x90: {  	s2 =	sld [smem:$0x3FD0];
	(tm) =	ssettm $0x1  }
0x91: {  	s18 =	sld [smem:$0x3FFB];
	_ =	sdelay $0x3  }
0x92: {  	_ =	strace s18  }
0x93: {  	s3 =	sld [smem:$0x3FFC];
	_ =	sdelay $0x3  }
0x94: {  	_ =	strace s3  }
0x95: {  	s3 =	sld [smem:$0x3FFD];
	_ =	sdelay $0x3  }
0x96: {  	_ =	strace s3  }
0x97: {  	_ =	strace $0x8FFFFFFF  }
0x98: {  	s19 =	sld [smem:$0x3FDB];
	_ =	sdelay $0x1  }
0x99: {  	s4 =	simm.s32 $_scs_section_size  }
0x9a: {  	s5 =	simm.s32 $_size__tile_overlayer_lowered;
	s6 =	simm.s32 $_tile_overlayer_lowered  }
0x9b: {  	s22 =	simm.s32 $0x1BFF;
	s21 =	sshll.u32 s6, $0x1;
	s3 =	sadd.s32 s4, s19  }
0x9c: {  	s7 =	simm.s32 $0x0;
	s20 =	sshll.u32 s5, $0x1;
	s5 =	sadd.s32 s21, s3  }
0x9d: {  	[timem:s7], [sflag:s22] =	dma.local [hbm:s5], s20  }
0x9e: {  	_ =	swait.ge [sflag:s22], s20  }
0x9f: {  	s4 =	ssub.s32 $0x0, s20;
	[sflag:s22] =	ssyncset.done $0x0  }
0xa0: {  	[sflag:s22] =	ssyncadd.s32 s4;
	_ =	sdelay $0x1  }
0xa1: {  	s23 =	simm.s32 $0x1B8B  }
0xa2: {  	_ =	swait.ge [sflag:s23], $0x1  }
0xa3: {  	[sflag:s23] =	ssyncset.done $0x0  }
0xa4: {  	s25 =	simm.s32 $0x1B8E;
	s24 =	sld [smem:$0x3FFE];
	[sflag:s23] =	ssyncadd.s32 $0xFFFFFFFF  }
0xa5: {  	s26 =	simm.s32 $execute0_lowered;
	[smem:$0x3FD2] =	sst s25  }
0xa6: {  	s5 =	sshll.u32 s26, $0x1;
	_ =	strace $0x80000046;
	[dreg:$0x1] =	wrdreg $0xFFFFFFFF  }
0xa7: {  	s28 =	simm.s32 $_size_execute0_lowered;
	s3 =	sadd.s32 s3, s5;
	[dreg:$0x0] =	wrdreg $0x0  }
0xa8: {  	s5 =	sshll.u32 s28, $0x1;
	[dreg:$0x2] =	wrdreg s3  }
0xa9: {  	[dreg:$0x3] =	wrdreg s5  }
0xaa: {  	[dreg:$0x4] =	wrdreg $0xC0  }
0xab: {  	_ =	task [dreg:s7], $0x5FFFF  }
0xac: {  	[dreg:$0x1] =	wrdreg $0xFFFFFFFF  }
0xad: {  	[dreg:$0x0] =	wrdreg $0x60  }
0xae: {  	[dreg:$0x2] =	wrdreg s24  }
0xaf: {  	[dreg:$0x3] =	wrdreg s2  }
0xb0: {  	[dreg:$0x4] =	wrdreg $0x9  }
0xb1: {  	_ =	task.clear_ibuf [dreg:s7], $0x5FFFF;
	_ =	strace $0x90000046  }
0xb2: {  	s29 =	simm.s32 $0x9;
	_ =	strace $0x80000048  }
0xb3: {  	_ =	swait.ge [sflag:s29], $0x1  }
0xb4: {  	[sflag:s29] =	ssyncadd.s32 $0xFFFFFFFF  }
0xb5: {  	_ =	strace $0x90000048  }
0xb6: {  	_ =	sfence  }
0xb7: {  	s30 =	sld [smem:$0x0];
	_ =	sdelay $0x2  }
0xb8: {  	s31 =	sshll.u32 s1, $0xD;
	s1 =	sshrl.u32 s1, $0x2  }
0xb9: {  	s3 =	sand.u32 $0x4000, s31;
	s1 =	sadd.s32 s1, s30  }
0xba: {  	s0 =	sor.u32 s3, s0;
	s1 =	sshll.u32 s1, $0x11  }
0xbb: {  	s0 =	sor.u32 s1, s0  }
0xbc: {  	s0 =	sadd.s32 $0x8F2B, s0  }
0xbd: {  	[sflag:s0] =	ssyncadd.remote.s32 $0x1  }
0xbe: {  	_ =	sfence.sel $0xFFFF  }
0xbf: {  	[dreg:$0x0] =	wrdreg $0xFFFFFFFF;
	(pc) =	sbr.abs _section_cstart, $3  }
0xc0: {  	[dreg:$0x1] =	wrdreg $0xFFFFFFFF  }
0xc1: {  	_ =	task.clear_ibuf [dreg:s7], $0x2FFFF;
	_ =	strace $0x9FFFFFFF  }
0xc2: {  	(tm) =	ssettm $0x7FFFFFFF  }
0xc3: {  	_ =	shalt  }
tec
execute0_lowered:
.L_overlay_start_1:
0x0: {  	(tag) =	ssettag $0x1  }
0x1: {  	v8 =	vlaneseq.u32  }
0x2: {  	v0 =	vmul.u32 $0x100, v8;
	_ =	sdelay $0x1  }
0x3: {  	v8 =	vmul.u32 $0x2, v8;
	v1 =	vor.u32 $0x80, v0  }
0x4: {  	v16 =	vor.u32 $0x1001, v0;
	v17 =	vor.u32 $0x1081, v0;
	v18 =	vor.u32 $0x1002, v0  }
0x5: {  	v19 =	vor.u32 $0x1082, v0;
	v20 =	vor.u32 $0x1003, v0;
	v21 =	vor.u32 $0x1083, v0  }
0x6: {  	v22 =	vor.u32 $0x1004, v0;
	v23 =	vor.u32 $0x1084, v0;
	v24 =	vor.u32 $0x1005, v0  }
0x7: {  	v25 =	vor.u32 $0x1085, v0;
	v26 =	vor.u32 $0x20, v8;
	v27 =	vor.u32 $0x21, v8  }
0x8: {  	v28 =	vor.u32 $0x2000, v0;
	v29 =	vor.u32 $0x2080, v0;
	v30 =	vor.u32 $0x2001, v0  }
0x9: {  	v31 =	vor.u32 $0x2081, v0;
	v32 =	vor.u32 $0x2002, v0;
	[tilespmem:$0x1FF20] =	vst v1;
	v1 =	vor.u32 $0x1, v0  }
0xa: {  	v33 =	vor.u32 $0x2082, v0;
	v34 =	vor.u32 $0x2003, v0;
	[tilespmem:$0x1FF30] =	vst v1;
	v1 =	vor.u32 $0x81, v0  }
0xb: {  	v35 =	vor.u32 $0x2083, v0;
	v36 =	vor.u32 $0x2004, v0;
	[tilespmem:$0x1FF40] =	vst v1;
	v1 =	vor.u32 $0x2, v0  }
0xc: {  	v37 =	vor.u32 $0x2084, v0;
	v38 =	vor.u32 $0x2005, v0;
	[tilespmem:$0x1FF50] =	vst v1;
	v1 =	vor.u32 $0x82, v0  }
0xd: {  	v39 =	vor.u32 $0x2085, v0;
	v40 =	vor.u32 $0x40, v8;
	[tilespmem:$0x1FF60] =	vst v1;
	v1 =	vor.u32 $0x3, v0  }
0xe: {  	v41 =	vor.u32 $0x41, v8;
	v42 =	vor.u32 $0x3000, v0;
	[tilespmem:$0x1FF70] =	vst v1;
	v1 =	vor.u32 $0x83, v0  }
0xf: {  	s3 =	rddreg [dreg:$0x0];
	v43 =	vor.u32 $0x3080, v0;
	v44 =	vor.u32 $0x3001, v0;
	[tilespmem:$0x1FF80] =	vst v1;
	v1 =	vor.u32 $0x4, v0  }
0x10: {  	s1 =	srdreg.scid;
	s0 =	stileid.u32;
	v45 =	vor.u32 $0x3081, v0;
	v46 =	vor.u32 $0x3002, v0;
	[tilespmem:$0x1FF90] =	vst v1;
	v1 =	vor.u32 $0x84, v0  }
0x11: {  	s5 =	rddreg [dreg:$0x1];
	s2 =	simm.s32 $0x0;
	s9 =	simm.s32 $0x8400;
	v47 =	vor.u32 $0x3082, v0;
	v48 =	vor.u32 $0x3003, v0;
	[tilespmem:$0x1FFA0] =	vst v1;
	v1 =	vor.u32 $0x5, v0  }
0x12: {  	s4 =	sand.u32 $0x1, s1;
	s6 =	sshll.u32 s0, $0x1;
	s1 =	rddreg [dreg:$0x2];
	v49 =	vor.u32 $0x3083, v0;
	v50 =	vor.u32 $0x3004, v0;
	[tilespmem:$0x1FFB0] =	vst v1;
	v1 =	vor.u32 $0x85, v0  }
0x13: {  	[smem:$0x7FF] =	sst s2;
	s6 =	sor.u32 s4, s6;
	s4 =	ssub.s32 $0x2, s4;
	v51 =	vor.u32 $0x3084, v0;
	v52 =	vor.u32 $0x3005, v0;
	[tilespmem:$0x1FFC0] =	vst v1;
	v1 =	vor.u32 $0x1, v8  }
0x14: {  	s7 =	sshll.u32 s6, $0xC;
	s8 =	sshrl.u32 s4, $0x1;
	v53 =	vor.u32 $0x3085, v0;
	s6 =	sshll.u32 s6, $0x5;
	v54 =	vor.u32 $0x60, v8;
	[tilespmem:$0x1FFD0] =	vst v1;
	v1 =	vor.u32 $0x1000, v0  }
0x15: {  	v55 =	vor.u32 $0x61, v8;
	v56 =	vor.u32 $0x4000, v0;
	s7 =	sadd.s32 s7, s3;
	s3 =	sadd.s32 $0x20400, s3;
	s8 =	ssub.s32 s4, s8;
	[tilespmem:$0x1FFE0] =	vst v1;
	v1 =	vor.u32 $0x1080, v0  }
0x16: {  	v57 =	vor.u32 $0x4080, v0;
	v58 =	vor.u32 $0x4001, v0;
	v59 =	vor.u32 $0x4081, v0;
	s5 =	sadd.s32 s5, s6;
	s4 =	sadd.s32 $0x400, s7;
	s6 =	smax.u32 s8, $0x1;
	[tilespmem:$0x1FFF0] =	vst v1  }
0x17: {  	v60 =	vor.u32 $0x4002, v0;
	v61 =	vor.u32 $0x4082, v0;
	v62 =	vor.u32 $0x4003, v0;
	s7 =	simm.s32 $0x1;
	s8 =	simm.s32 $0x8000;
	_ =	strace $0x80000047  }
.LBB2_1:
0x18: {  	[tilespmem:s2], [sflag:$0x1] =	stream.linear.gather [hbm4b:s4+s2], $0x8000, $0x38;
	[tilespmem:$0x8500] =	vst v63  }
0x19: {  	_ =	swait.ge [sflag:s7], $0x8000  }
0x1a: {  	[sflag:s7] =	ssyncset.done $0x0  }
0x1b: {  	[sflag:s7] =	ssyncadd.s32 $0xFFFF8000  }
0x1c: {  	[tilespmem:s8], [sflag:$0x1] =	stream.linear.gather [hbm4b:s3+s2], $0x300, $0x38;
	[tilespmem:$0x8500] =	vst v63  }
0x1d: {  	_ =	swait.ge [sflag:s7], $0x300  }
0x1e: {  	v1 =	vld [tilespmem:$0x1FF20]  }
0x1f: {  	v3 =	vld [tilespmem:$0x1FF30]  }
0x20: {  	v4 =	vld [tilespmem:$0x1FF40]  }
0x21: {  	v6 =	vld [tilespmem:$0x1FF50]  }
0x22: {  	v7 =	vld [tilespmem:$0x1FF60]  }
0x23: {  	[sflag:s7] =	ssyncset.done $0x0;
	v10 =	vld [tilespmem:$0x1FF70]  }
0x24: {  	v11 =	vld [tilespmem:$0x1FF80];
	[sflag:s7] =	ssyncadd.s32 $0xFFFFFD00  }
0x25: {  	v63 =	vld.idx.msk [tilespmem:v0+s2+$0x0], $0xffff  }
0x26: {  	v2 =	vld [tilespmem:$0x8000]  }
0x27: {  	v1 =	vld.idx.msk [tilespmem:v1+s2+$0x0], $0xffff  }
0x28: {  	v3 =	vld.idx.msk [tilespmem:v3+s2+$0x0], $0xffff  }
0x29: {  	v4 =	vld.idx.msk [tilespmem:v4+s2+$0x0], $0xffff  }
0x2a: {  	v6 =	vld.idx.msk [tilespmem:v6+s2+$0x0], $0xffff  }
0x2b: {  	v7 =	vld.idx.msk [tilespmem:v7+s2+$0x0], $0xffff  }
0x2c: {  	v12 =	vld [tilespmem:$0x1FF90]  }
0x2d: {  	v5 =	vld [tilespmem:$0x8080];
	v1 =	vsub.f32 v63, v1  }
0x2e: {  	v9 =	vld [tilespmem:$0x8100]  }
0x2f: {  	v1 =	vmul.f32 v2, v1;
	v2 =	vsub.f32 v3, v4;
	v3 =	vld [tilespmem:$0x1FFA0]  }
0x30: {  	v13 =	vsub.f32 v6, v7;
	v6 =	vld [tilespmem:$0x1FFB0]  }
0x31: {  	v7 =	vld [tilespmem:$0x1FFC0]  }
0x32: {  	v10 =	vld.idx.msk [tilespmem:v10+s2+$0x0], $0xffff  }
0x33: {  	v11 =	vld.idx.msk [tilespmem:v11+s2+$0x0], $0xffff  }
0x34: {  	v12 =	vld.idx.msk [tilespmem:v12+s2+$0x0], $0xffff  }
0x35: {  	v63 =	vld [tilespmem:$0x8180]  }
0x36: {  	v4 =	vld [tilespmem:$0x8200]  }
0x37: {  	v3 =	vld.idx.msk [tilespmem:v3+s2+$0x0], $0xffff  }
0x38: {  	v1 =	vadd.f32 $0.0e+00, v1;
	v2 =	vmul.f32 v5, v2;
	v6 =	vld.idx.msk [tilespmem:v6+s2+$0x0], $0xffff  }
0x39: {  	v7 =	vld.idx.msk [tilespmem:v7+s2+$0x0], $0xffff  }
0x3a: {  	v14 =	vsub.f32 v10, v11;
	v1 =	vadd.f32 v2, v1;
	v2 =	vmul.f32 v9, v13  }
0x3b: {  	v9 =	vld [tilespmem:$0x8280]  }
0x3c: {  	v1 =	vadd.f32 v2, v1;
	v2 =	vmul.f32 v63, v14;
	v3 =	vsub.f32 v12, v3;
	_ =	sdelay $0x1  }
0x3d: {  	v1 =	vadd.f32 v2, v1;
	v2 =	vmul.f32 v4, v3;
	v3 =	vsub.f32 v6, v7;
	_ =	sdelay $0x1  }
0x3e: {  	v1 =	vadd.f32 v2, v1;
	v2 =	vmul.f32 v9, v3;
	_ =	sdelay $0x1  }
0x3f: {  	v1 =	vadd.f32 v2, v1;
	_ =	sdelay $0x1  }
0x40: {  	v1 =	vsub.f32 $0.0e+00, v1;
	_ =	sdelay $0x1  }
0x41: {  	v1 =	vmul.f32 $1.442695020e+00, v1;
	_ =	sdelay $0x1  }
0x42: {  	(erf) = vpow2.f32 v1;
	_ =	sdelay $0x8  }
0x43: {  	v1 =	vpop (erf)  }
0x44: {  	v1 =	vadd.f32 $1.000000000e+00, v1;
	_ =	sdelay $0x1  }
0x45: {  	(erf) = vrcp.f32 v1;
	_ =	sdelay $0x8  }
0x46: {  	v1 =	vpop (erf)  }
0x47: {  	v2 =	vsub.f32 $1.000000000e+00, v1;
	[tilespmem:v8+s9+$0x0] =	vst.idx.msk $0xffff, v1;
	v1 =	vld [tilespmem:$0x1FFD0];
	_ =	sdelay $0x7  }
0x48: {  	[tilespmem:v1+s9+$0x0] =	vst.idx.msk $0xffff, v2;
	v1 =	vld [tilespmem:$0x1FFE0]  }
0x49: {  	v2 =	vld [tilespmem:$0x1FFF0];
	_ =	sdelay $0x1  }
0x4a: {  	v3 =	vld [tilespmem:$0x8000]  }
0x4b: {  	v4 =	vld.idx.msk [tilespmem:v16+s2+$0x0], $0xffff  }
0x4c: {  	v5 =	vld.idx.msk [tilespmem:v17+s2+$0x0], $0xffff  }
0x4d: {  	v6 =	vld [tilespmem:$0x8080]  }
0x4e: {  	v7 =	vld.idx.msk [tilespmem:v18+s2+$0x0], $0xffff  }
0x4f: {  	v1 =	vld.idx.msk [tilespmem:v1+s2+$0x0], $0xffff  }
0x50: {  	v2 =	vld.idx.msk [tilespmem:v2+s2+$0x0], $0xffff  }
0x51: {  	v9 =	vld.idx.msk [tilespmem:v19+s2+$0x0], $0xffff  }
0x52: {  	v10 =	vld [tilespmem:$0x8100]  }
0x53: {  	v11 =	vld.idx.msk [tilespmem:v20+s2+$0x0], $0xffff  }
0x54: {  	v12 =	vld.idx.msk [tilespmem:v21+s2+$0x0], $0xffff  }
0x55: {  	v63 =	vld.idx.msk [tilespmem:v22+s2+$0x0], $0xffff;
	v1 =	vsub.f32 v1, v2  }
0x56: {  	v13 =	vld.idx.msk [tilespmem:v23+s2+$0x0], $0xffff  }
0x57: {  	v14 =	vld [tilespmem:$0x8200];
	v1 =	vmul.f32 v3, v1;
	v3 =	vsub.f32 v4, v5  }
0x58: {  	v2 =	vld [tilespmem:$0x8180]  }
0x59: {  	v1 =	vadd.f32 $0.0e+00, v1;
	v3 =	vmul.f32 v6, v3;
	v6 =	vsub.f32 v7, v9;
	v7 =	vld.idx.msk [tilespmem:v24+s2+$0x0], $0xffff  }
0x5a: {  	v9 =	vld.idx.msk [tilespmem:v25+s2+$0x0], $0xffff  }
0x5b: {  	v1 =	vadd.f32 v3, v1;
	v3 =	vmul.f32 v10, v6;
	v6 =	vsub.f32 v11, v12  }
0x5c: {  	v10 =	vld [tilespmem:$0x8280]  }
0x5d: {  	v1 =	vadd.f32 v3, v1;
	v2 =	vmul.f32 v2, v6;
	v3 =	vsub.f32 v63, v13;
	_ =	sdelay $0x1  }
0x5e: {  	v1 =	vadd.f32 v2, v1;
	v2 =	vmul.f32 v14, v3;
	v3 =	vsub.f32 v7, v9;
	_ =	sdelay $0x1  }
0x5f: {  	v1 =	vadd.f32 v2, v1;
	v2 =	vmul.f32 v10, v3;
	_ =	sdelay $0x1  }
0x60: {  	v1 =	vadd.f32 v2, v1;
	_ =	sdelay $0x1  }
0x61: {  	v1 =	vsub.f32 $0.0e+00, v1;
	_ =	sdelay $0x1  }
0x62: {  	v1 =	vmul.f32 $1.442695020e+00, v1;
	_ =	sdelay $0x1  }
0x63: {  	(erf) = vpow2.f32 v1;
	_ =	sdelay $0x8  }
0x64: {  	v1 =	vpop (erf)  }
0x65: {  	v1 =	vadd.f32 $1.000000000e+00, v1;
	_ =	sdelay $0x1  }
0x66: {  	(erf) = vrcp.f32 v1;
	_ =	sdelay $0x8  }
0x67: {  	v1 =	vpop (erf)  }
0x68: {  	v2 =	vsub.f32 $1.000000000e+00, v1  }
0x69: {  	[tilespmem:v26+s9+$0x0] =	vst.idx.msk $0xffff, v1  }
0x6a: {  	[tilespmem:v27+s9+$0x0] =	vst.idx.msk $0xffff, v2  }
0x6b: {  	v1 =	vld.idx.msk [tilespmem:v28+s2+$0x0], $0xffff  }
0x6c: {  	v2 =	vld.idx.msk [tilespmem:v29+s2+$0x0], $0xffff  }
0x6d: {  	v3 =	vld [tilespmem:$0x8000]  }
0x6e: {  	v4 =	vld.idx.msk [tilespmem:v30+s2+$0x0], $0xffff  }
0x6f: {  	v5 =	vld.idx.msk [tilespmem:v31+s2+$0x0], $0xffff  }
0x70: {  	v6 =	vld [tilespmem:$0x8080]  }
0x71: {  	v7 =	vld.idx.msk [tilespmem:v32+s2+$0x0], $0xffff  }
0x72: {  	v9 =	vld.idx.msk [tilespmem:v33+s2+$0x0], $0xffff  }
0x73: {  	v10 =	vld [tilespmem:$0x8100]  }
0x74: {  	v11 =	vld.idx.msk [tilespmem:v34+s2+$0x0], $0xffff  }
0x75: {  	v12 =	vld.idx.msk [tilespmem:v35+s2+$0x0], $0xffff  }
0x76: {  	v63 =	vld.idx.msk [tilespmem:v36+s2+$0x0], $0xffff;
	v1 =	vsub.f32 v1, v2  }
0x77: {  	v13 =	vld.idx.msk [tilespmem:v37+s2+$0x0], $0xffff  }
0x78: {  	v14 =	vld [tilespmem:$0x8200];
	v1 =	vmul.f32 v3, v1;
	v3 =	vsub.f32 v4, v5  }
0x79: {  	v2 =	vld [tilespmem:$0x8180]  }
0x7a: {  	v1 =	vadd.f32 $0.0e+00, v1;
	v3 =	vmul.f32 v6, v3;
	v6 =	vsub.f32 v7, v9;
	v7 =	vld.idx.msk [tilespmem:v38+s2+$0x0], $0xffff  }
0x7b: {  	v9 =	vld.idx.msk [tilespmem:v39+s2+$0x0], $0xffff  }
0x7c: {  	v1 =	vadd.f32 v3, v1;
	v3 =	vmul.f32 v10, v6;
	v6 =	vsub.f32 v11, v12  }
0x7d: {  	v10 =	vld [tilespmem:$0x8280]  }
0x7e: {  	v1 =	vadd.f32 v3, v1;
	v2 =	vmul.f32 v2, v6;
	v3 =	vsub.f32 v63, v13;
	_ =	sdelay $0x1  }
0x7f: {  	v1 =	vadd.f32 v2, v1;
	v2 =	vmul.f32 v14, v3;
	v3 =	vsub.f32 v7, v9;
	_ =	sdelay $0x1  }
0x80: {  	v1 =	vadd.f32 v2, v1;
	v2 =	vmul.f32 v10, v3;
	_ =	sdelay $0x1  }
0x81: {  	v1 =	vadd.f32 v2, v1;
	_ =	sdelay $0x1  }
0x82: {  	v1 =	vsub.f32 $0.0e+00, v1;
	_ =	sdelay $0x1  }
0x83: {  	v1 =	vmul.f32 $1.442695020e+00, v1;
	_ =	sdelay $0x1  }
0x84: {  	(erf) = vpow2.f32 v1;
	_ =	sdelay $0x8  }
0x85: {  	v1 =	vpop (erf)  }
0x86: {  	v1 =	vadd.f32 $1.000000000e+00, v1;
	_ =	sdelay $0x1  }
0x87: {  	(erf) = vrcp.f32 v1;
	_ =	sdelay $0x8  }
0x88: {  	v1 =	vpop (erf)  }
0x89: {  	v2 =	vsub.f32 $1.000000000e+00, v1  }
0x8a: {  	[tilespmem:v40+s9+$0x0] =	vst.idx.msk $0xffff, v1  }
0x8b: {  	[tilespmem:v41+s9+$0x0] =	vst.idx.msk $0xffff, v2  }
0x8c: {  	v1 =	vld.idx.msk [tilespmem:v42+s2+$0x0], $0xffff  }
0x8d: {  	v2 =	vld.idx.msk [tilespmem:v43+s2+$0x0], $0xffff  }
0x8e: {  	v3 =	vld [tilespmem:$0x8000]  }
0x8f: {  	v4 =	vld.idx.msk [tilespmem:v44+s2+$0x0], $0xffff  }
0x90: {  	v5 =	vld.idx.msk [tilespmem:v45+s2+$0x0], $0xffff  }
0x91: {  	v6 =	vld [tilespmem:$0x8080]  }
0x92: {  	v7 =	vld.idx.msk [tilespmem:v46+s2+$0x0], $0xffff  }
0x93: {  	v9 =	vld.idx.msk [tilespmem:v47+s2+$0x0], $0xffff  }
0x94: {  	v10 =	vld [tilespmem:$0x8100]  }
0x95: {  	v11 =	vld.idx.msk [tilespmem:v48+s2+$0x0], $0xffff  }
0x96: {  	v12 =	vld.idx.msk [tilespmem:v49+s2+$0x0], $0xffff  }
0x97: {  	v63 =	vld.idx.msk [tilespmem:v50+s2+$0x0], $0xffff;
	v1 =	vsub.f32 v1, v2  }
0x98: {  	v13 =	vld.idx.msk [tilespmem:v51+s2+$0x0], $0xffff  }
0x99: {  	v14 =	vld [tilespmem:$0x8200];
	v1 =	vmul.f32 v3, v1;
	v3 =	vsub.f32 v4, v5  }
0x9a: {  	v2 =	vld [tilespmem:$0x8180]  }
0x9b: {  	v1 =	vadd.f32 $0.0e+00, v1;
	v3 =	vmul.f32 v6, v3;
	v6 =	vsub.f32 v7, v9;
	v7 =	vld.idx.msk [tilespmem:v52+s2+$0x0], $0xffff  }
0x9c: {  	v9 =	vld.idx.msk [tilespmem:v53+s2+$0x0], $0xffff  }
0x9d: {  	v1 =	vadd.f32 v3, v1;
	v3 =	vmul.f32 v10, v6;
	v6 =	vsub.f32 v11, v12  }
0x9e: {  	v10 =	vld [tilespmem:$0x8280]  }
0x9f: {  	v1 =	vadd.f32 v3, v1;
	v2 =	vmul.f32 v2, v6;
	v3 =	vsub.f32 v63, v13;
	_ =	sdelay $0x1  }
0xa0: {  	v1 =	vadd.f32 v2, v1;
	v2 =	vmul.f32 v14, v3;
	v3 =	vsub.f32 v7, v9;
	_ =	sdelay $0x1  }
0xa1: {  	v1 =	vadd.f32 v2, v1;
	v2 =	vmul.f32 v10, v3;
	_ =	sdelay $0x1  }
0xa2: {  	v1 =	vadd.f32 v2, v1;
	_ =	sdelay $0x1  }
0xa3: {  	v1 =	vsub.f32 $0.0e+00, v1;
	_ =	sdelay $0x1  }
0xa4: {  	v1 =	vmul.f32 $1.442695020e+00, v1;
	_ =	sdelay $0x1  }
0xa5: {  	(erf) = vpow2.f32 v1;
	_ =	sdelay $0x8  }
0xa6: {  	v1 =	vpop (erf)  }
0xa7: {  	v1 =	vadd.f32 $1.000000000e+00, v1;
	_ =	sdelay $0x1  }
0xa8: {  	(erf) = vrcp.f32 v1;
	_ =	sdelay $0x8  }
0xa9: {  	v1 =	vpop (erf)  }
0xaa: {  	v2 =	vsub.f32 $1.000000000e+00, v1  }
0xab: {  	[tilespmem:v54+s9+$0x0] =	vst.idx.msk $0xffff, v1  }
0xac: {  	[tilespmem:v55+s9+$0x0] =	vst.idx.msk $0xffff, v2  }
0xad: {  	v1 =	vld.idx.msk [tilespmem:v56+s2+$0x0], $0xffff  }
0xae: {  	v2 =	vld.idx.msk [tilespmem:v57+s2+$0x0], $0xffff  }
0xaf: {  	v3 =	vld [tilespmem:$0x8000]  }
0xb0: {  	v4 =	vld.idx.msk [tilespmem:v58+s2+$0x0], $0xffff  }
0xb1: {  	v5 =	vld.idx.msk [tilespmem:v59+s2+$0x0], $0xffff  }
0xb2: {  	v7 =	vor.u32 $0x4083, v0;
	v6 =	vld [tilespmem:$0x8080]  }
0xb3: {  	v11 =	vor.u32 $0x4004, v0;
	v9 =	vld.idx.msk [tilespmem:v60+s2+$0x0], $0xffff  }
0xb4: {  	v10 =	vld.idx.msk [tilespmem:v61+s2+$0x0], $0xffff  }
0xb5: {  	v63 =	vor.u32 $0x4084, v0;
	v12 =	vld [tilespmem:$0x8100]  }
0xb6: {  	v13 =	vld.idx.msk [tilespmem:v62+s2+$0x0], $0xffff  }
0xb7: {  	v14 =	vor.u32 $0x4005, v0;
	v7 =	vld.idx.msk [tilespmem:v7+s2+$0x0], $0xffff  }
0xb8: {  	v15 =	vor.u32 $0x4085, v0;
	v11 =	vld.idx.msk [tilespmem:v11+s2+$0x0], $0xffff;
	v1 =	vsub.f32 v1, v2  }
0xb9: {  	v2 =	vld [tilespmem:$0x8180]  }
0xba: {  	v1 =	vmul.f32 v3, v1;
	v3 =	vsub.f32 v4, v5;
	v4 =	vld.idx.msk [tilespmem:v63+s2+$0x0], $0xffff  }
0xbb: {  	v63 =	vld [tilespmem:$0x8200]  }
0xbc: {  	v1 =	vadd.f32 $0.0e+00, v1;
	v3 =	vmul.f32 v6, v3;
	v6 =	vsub.f32 v9, v10;
	v9 =	vld.idx.msk [tilespmem:v14+s2+$0x0], $0xffff  }
0xbd: {  	v10 =	vld.idx.msk [tilespmem:v15+s2+$0x0], $0xffff  }
0xbe: {  	v1 =	vadd.f32 v3, v1;
	v3 =	vmul.f32 v12, v6;
	v6 =	vsub.f32 v13, v7  }
0xbf: {  	v7 =	vld [tilespmem:$0x8280]  }
0xc0: {  	v1 =	vadd.f32 v3, v1;
	v2 =	vmul.f32 v2, v6;
	v3 =	vsub.f32 v11, v4;
	_ =	sdelay $0x1  }
0xc1: {  	v1 =	vadd.f32 v2, v1;
	v2 =	vmul.f32 v63, v3;
	v3 =	vsub.f32 v9, v10;
	_ =	sdelay $0x1  }
0xc2: {  	v1 =	vadd.f32 v2, v1;
	v2 =	vmul.f32 v7, v3;
	_ =	sdelay $0x1  }
0xc3: {  	v1 =	vadd.f32 v2, v1;
	_ =	sdelay $0x1  }
0xc4: {  	v1 =	vsub.f32 $0.0e+00, v1;
	_ =	sdelay $0x1  }
0xc5: {  	v1 =	vmul.f32 $1.442695020e+00, v1;
	_ =	sdelay $0x1  }
0xc6: {  	(erf) = vpow2.f32 v1;
	_ =	sdelay $0x8  }
0xc7: {  	v1 =	vpop (erf)  }
0xc8: {  	v1 =	vadd.f32 $1.000000000e+00, v1;
	_ =	sdelay $0x1  }
0xc9: {  	(erf) = vrcp.f32 v1;
	_ =	sdelay $0x5  }
0xca: {  	v1 =	vor.u32 $0x80, v8  }
0xcb: {  	v2 =	vor.u32 $0x81, v8  }
0xcc: {  	v3 =	vor.u32 $0x5000, v0  }
0xcd: {  	v12 =	vor.u32 $0x5080, v0;
	v63 =	vpop (erf)  }
0xce: {  	v6 =	vsub.f32 $1.000000000e+00, v63  }
0xcf: {  	[tilespmem:v1+s9+$0x0] =	vst.idx.msk $0xffff, v63  }
0xd0: {  	v13 =	vor.u32 $0x5002, v0;
	[tilespmem:v2+s9+$0x0] =	vst.idx.msk $0xffff, v6  }
0xd1: {  	v7 =	vor.u32 $0x5082, v0;
	v3 =	vld.idx.msk [tilespmem:v3+s2+$0x0], $0xffff  }
0xd2: {  	v4 =	vld.idx.msk [tilespmem:v12+s2+$0x0], $0xffff  }
0xd3: {  	v1 =	vor.u32 $0x5001, v0;
	v6 =	vld [tilespmem:$0x8000]  }
0xd4: {  	v2 =	vor.u32 $0x5081, v0;
	v10 =	vld [tilespmem:$0x8080]  }
0xd5: {  	v9 =	vor.u32 $0x5003, v0;
	v5 =	vld.idx.msk [tilespmem:v13+s2+$0x0], $0xffff  }
0xd6: {  	v11 =	vor.u32 $0x5083, v0;
	v7 =	vld.idx.msk [tilespmem:v7+s2+$0x0], $0xffff  }
0xd7: {  	v13 =	vld [tilespmem:$0x8100]  }
0xd8: {  	v12 =	vor.u32 $0x5004, v0;
	v1 =	vld.idx.msk [tilespmem:v1+s2+$0x0], $0xffff  }
0xd9: {  	v15 =	vor.u32 $0x5005, v0;
	v2 =	vld.idx.msk [tilespmem:v2+s2+$0x0], $0xffff  }
0xda: {  	v14 =	vor.u32 $0x5084, v0;
	v9 =	vld.idx.msk [tilespmem:v9+s2+$0x0], $0xffff  }
0xdb: {  	v11 =	vld.idx.msk [tilespmem:v11+s2+$0x0], $0xffff  }
0xdc: {  	v63 =	vor.u32 $0x5085, v0;
	v3 =	vsub.f32 v3, v4;
	v4 =	vld [tilespmem:$0x8180]  }
0xdd: {  	v12 =	vld.idx.msk [tilespmem:v12+s2+$0x0], $0xffff  }
0xde: {  	v5 =	vsub.f32 v5, v7;
	v7 =	vld.idx.msk [tilespmem:v15+s2+$0x0], $0xffff;
	v3 =	vmul.f32 v6, v3;
	v1 =	vsub.f32 v1, v2  }
0xdf: {  	v2 =	vld.idx.msk [tilespmem:v14+s2+$0x0], $0xffff  }
0xe0: {  	v6 =	vld [tilespmem:$0x8200];
	v3 =	vadd.f32 $0.0e+00, v3;
	v1 =	vmul.f32 v10, v1  }
0xe1: {  	v10 =	vld.idx.msk [tilespmem:v63+s2+$0x0], $0xffff  }
0xe2: {  	v14 =	vsub.f32 v9, v11;
	v1 =	vadd.f32 v1, v3;
	v3 =	vmul.f32 v13, v5  }
0xe3: {  	v9 =	vld [tilespmem:$0x8280]  }
0xe4: {  	v2 =	vsub.f32 v12, v2;
	v1 =	vadd.f32 v3, v1;
	v3 =	vmul.f32 v4, v14;
	_ =	sdelay $0x1  }
0xe5: {  	v2 =	vmul.f32 v6, v2;
	v1 =	vadd.f32 v3, v1;
	v3 =	vsub.f32 v7, v10;
	_ =	sdelay $0x1  }
0xe6: {  	v1 =	vadd.f32 v2, v1;
	v2 =	vmul.f32 v9, v3;
	_ =	sdelay $0x1  }
0xe7: {  	v1 =	vadd.f32 v2, v1;
	_ =	sdelay $0x1  }
0xe8: {  	v1 =	vsub.f32 $0.0e+00, v1;
	_ =	sdelay $0x1  }
0xe9: {  	v1 =	vmul.f32 $1.442695020e+00, v1;
	_ =	sdelay $0x1  }
0xea: {  	(erf) = vpow2.f32 v1;
	_ =	sdelay $0x8  }
0xeb: {  	v1 =	vpop (erf)  }
0xec: {  	v1 =	vadd.f32 $1.000000000e+00, v1;
	_ =	sdelay $0x1  }
0xed: {  	(erf) = vrcp.f32 v1;
	_ =	sdelay $0x5  }
0xee: {  	v1 =	vor.u32 $0xA0, v8  }
0xef: {  	v2 =	vor.u32 $0xA1, v8  }
0xf0: {  	v3 =	vor.u32 $0x6000, v0  }
0xf1: {  	v12 =	vor.u32 $0x6080, v0;
	v63 =	vpop (erf)  }
0xf2: {  	v6 =	vsub.f32 $1.000000000e+00, v63  }
0xf3: {  	[tilespmem:v1+s9+$0x0] =	vst.idx.msk $0xffff, v63  }
0xf4: {  	v13 =	vor.u32 $0x6002, v0;
	[tilespmem:v2+s9+$0x0] =	vst.idx.msk $0xffff, v6  }
0xf5: {  	v7 =	vor.u32 $0x6082, v0;
	v3 =	vld.idx.msk [tilespmem:v3+s2+$0x0], $0xffff  }
0xf6: {  	v4 =	vld.idx.msk [tilespmem:v12+s2+$0x0], $0xffff  }
0xf7: {  	v1 =	vor.u32 $0x6001, v0;
	v6 =	vld [tilespmem:$0x8000]  }
0xf8: {  	v2 =	vor.u32 $0x6081, v0;
	v10 =	vld [tilespmem:$0x8080]  }
0xf9: {  	v9 =	vor.u32 $0x6003, v0;
	v5 =	vld.idx.msk [tilespmem:v13+s2+$0x0], $0xffff  }
0xfa: {  	v11 =	vor.u32 $0x6083, v0;
	v7 =	vld.idx.msk [tilespmem:v7+s2+$0x0], $0xffff  }
0xfb: {  	v13 =	vld [tilespmem:$0x8100]  }
0xfc: {  	v12 =	vor.u32 $0x6004, v0;
	v1 =	vld.idx.msk [tilespmem:v1+s2+$0x0], $0xffff  }
0xfd: {  	v15 =	vor.u32 $0x6005, v0;
	v2 =	vld.idx.msk [tilespmem:v2+s2+$0x0], $0xffff  }
0xfe: {  	v14 =	vor.u32 $0x6084, v0;
	v9 =	vld.idx.msk [tilespmem:v9+s2+$0x0], $0xffff  }
0xff: {  	v11 =	vld.idx.msk [tilespmem:v11+s2+$0x0], $0xffff  }
0x100: {  	v63 =	vor.u32 $0x6085, v0;
	v3 =	vsub.f32 v3, v4;
	v4 =	vld [tilespmem:$0x8180]  }
0x101: {  	v12 =	vld.idx.msk [tilespmem:v12+s2+$0x0], $0xffff  }
0x102: {  	v5 =	vsub.f32 v5, v7;
	v7 =	vld.idx.msk [tilespmem:v15+s2+$0x0], $0xffff;
	v3 =	vmul.f32 v6, v3;
	v1 =	vsub.f32 v1, v2  }
0x103: {  	v2 =	vld.idx.msk [tilespmem:v14+s2+$0x0], $0xffff  }
0x104: {  	v6 =	vld [tilespmem:$0x8200];
	v3 =	vadd.f32 $0.0e+00, v3;
	v1 =	vmul.f32 v10, v1  }
0x105: {  	v10 =	vld.idx.msk [tilespmem:v63+s2+$0x0], $0xffff  }
0x106: {  	v14 =	vsub.f32 v9, v11;
	v1 =	vadd.f32 v1, v3;
	v3 =	vmul.f32 v13, v5  }
0x107: {  	v9 =	vld [tilespmem:$0x8280]  }
0x108: {  	v2 =	vsub.f32 v12, v2;
	v1 =	vadd.f32 v3, v1;
	v3 =	vmul.f32 v4, v14;
	_ =	sdelay $0x1  }
0x109: {  	v2 =	vmul.f32 v6, v2;
	v1 =	vadd.f32 v3, v1;
	v3 =	vsub.f32 v7, v10;
	_ =	sdelay $0x1  }
0x10a: {  	v1 =	vadd.f32 v2, v1;
	v2 =	vmul.f32 v9, v3;
	_ =	sdelay $0x1  }
0x10b: {  	v1 =	vadd.f32 v2, v1;
	_ =	sdelay $0x1  }
0x10c: {  	v1 =	vsub.f32 $0.0e+00, v1;
	_ =	sdelay $0x1  }
0x10d: {  	v1 =	vmul.f32 $1.442695020e+00, v1;
	_ =	sdelay $0x1  }
0x10e: {  	(erf) = vpow2.f32 v1;
	_ =	sdelay $0x8  }
0x10f: {  	v1 =	vpop (erf)  }
0x110: {  	v1 =	vadd.f32 $1.000000000e+00, v1;
	_ =	sdelay $0x1  }
0x111: {  	(erf) = vrcp.f32 v1;
	_ =	sdelay $0x5  }
0x112: {  	v1 =	vor.u32 $0xC0, v8  }
0x113: {  	v2 =	vor.u32 $0xC1, v8  }
0x114: {  	v3 =	vor.u32 $0x7000, v0  }
0x115: {  	v12 =	vor.u32 $0x7080, v0;
	v63 =	vpop (erf)  }
0x116: {  	v6 =	vsub.f32 $1.000000000e+00, v63  }
0x117: {  	[tilespmem:v1+s9+$0x0] =	vst.idx.msk $0xffff, v63  }
0x118: {  	v13 =	vor.u32 $0x7002, v0;
	[tilespmem:v2+s9+$0x0] =	vst.idx.msk $0xffff, v6  }
0x119: {  	v7 =	vor.u32 $0x7082, v0;
	v3 =	vld.idx.msk [tilespmem:v3+s2+$0x0], $0xffff  }
0x11a: {  	v4 =	vld.idx.msk [tilespmem:v12+s2+$0x0], $0xffff  }
0x11b: {  	v1 =	vor.u32 $0x7001, v0;
	v6 =	vld [tilespmem:$0x8000]  }
0x11c: {  	v2 =	vor.u32 $0x7081, v0;
	v10 =	vld [tilespmem:$0x8080]  }
0x11d: {  	v9 =	vor.u32 $0x7003, v0;
	v5 =	vld.idx.msk [tilespmem:v13+s2+$0x0], $0xffff  }
0x11e: {  	v11 =	vor.u32 $0x7083, v0;
	v7 =	vld.idx.msk [tilespmem:v7+s2+$0x0], $0xffff  }
0x11f: {  	v13 =	vld [tilespmem:$0x8100]  }
0x120: {  	v12 =	vor.u32 $0x7004, v0;
	v1 =	vld.idx.msk [tilespmem:v1+s2+$0x0], $0xffff  }
0x121: {  	v15 =	vor.u32 $0x7005, v0;
	v2 =	vld.idx.msk [tilespmem:v2+s2+$0x0], $0xffff  }
0x122: {  	v14 =	vor.u32 $0x7084, v0;
	v9 =	vld.idx.msk [tilespmem:v9+s2+$0x0], $0xffff  }
0x123: {  	v11 =	vld.idx.msk [tilespmem:v11+s2+$0x0], $0xffff  }
0x124: {  	v63 =	vor.u32 $0x7085, v0;
	v3 =	vsub.f32 v3, v4;
	v4 =	vld [tilespmem:$0x8180]  }
0x125: {  	v12 =	vld.idx.msk [tilespmem:v12+s2+$0x0], $0xffff  }
0x126: {  	v5 =	vsub.f32 v5, v7;
	v7 =	vld.idx.msk [tilespmem:v15+s2+$0x0], $0xffff;
	v3 =	vmul.f32 v6, v3;
	v1 =	vsub.f32 v1, v2  }
0x127: {  	v2 =	vld.idx.msk [tilespmem:v14+s2+$0x0], $0xffff  }
0x128: {  	v6 =	vld [tilespmem:$0x8200];
	v3 =	vadd.f32 $0.0e+00, v3;
	v1 =	vmul.f32 v10, v1  }
0x129: {  	v10 =	vld.idx.msk [tilespmem:v63+s2+$0x0], $0xffff  }
0x12a: {  	v14 =	vsub.f32 v9, v11;
	v1 =	vadd.f32 v1, v3;
	v3 =	vmul.f32 v13, v5  }
0x12b: {  	v9 =	vld [tilespmem:$0x8280]  }
0x12c: {  	v2 =	vsub.f32 v12, v2;
	v1 =	vadd.f32 v3, v1;
	v3 =	vmul.f32 v4, v14;
	_ =	sdelay $0x1  }
0x12d: {  	v2 =	vmul.f32 v6, v2;
	v1 =	vadd.f32 v3, v1;
	v3 =	vsub.f32 v7, v10;
	_ =	sdelay $0x1  }
0x12e: {  	v1 =	vadd.f32 v2, v1;
	v2 =	vmul.f32 v9, v3;
	_ =	sdelay $0x1  }
0x12f: {  	v1 =	vadd.f32 v2, v1;
	_ =	sdelay $0x1  }
0x130: {  	v1 =	vsub.f32 $0.0e+00, v1;
	_ =	sdelay $0x1  }
0x131: {  	v1 =	vmul.f32 $1.442695020e+00, v1;
	_ =	sdelay $0x1  }
0x132: {  	(erf) = vpow2.f32 v1;
	_ =	sdelay $0x8  }
0x133: {  	v1 =	vpop (erf)  }
0x134: {  	v1 =	vadd.f32 $1.000000000e+00, v1;
	_ =	sdelay $0x1  }
0x135: {  	(erf) = vrcp.f32 v1;
	_ =	sdelay $0x5  }
0x136: {  	v1 =	vor.u32 $0xE0, v8  }
0x137: {  	v2 =	vor.u32 $0xE1, v8;
	_ =	sdelay $0x1  }
0x138: {  	v3 =	vpop (erf)  }
0x139: {  	v63 =	vsub.f32 $1.000000000e+00, v3  }
0x13a: {  	p0 =	sne.s32 s6, $0x1;
	[tilespmem:v1+s9+$0x0] =	vst.idx.msk $0xffff, v3  }
.Ltmp0:
0x13b: {  	[tilespmem:v2+s9+$0x0] =	vst.idx.msk $0xffff, v63;
	(pc) =	sbr.rel @p0 .LBB2_1-.Ltmp0, $4  }
0x13c: {  	[hbm4b:s5+s2] =	stream.linear.scatter [tilespmem:s9], [sflag:$0x1], $0x100, $0x38;
	[tilespmem:$0x8500] =	vst v63  }
0x13d: {  	_ =	swait.ge [sflag:s7], $0x100  }
0x13e: {  	[sflag:s7] =	ssyncset.done $0x0  }
0x13f: {  	s6 =	sadd.s32 $0xFFFFFFFF, s6;
	[sflag:s7] =	ssyncadd.s32 $0xFFFFFF00  }
0x140: {  	_ =	sfence.sel $0x180000  }
0x141: {  	[bflag:$0x0] =	sbarrier.arrive $0xFFFF  }
0x142: {  	p0 =	sne.s32 s0, $0x0;
	_ =	strace $0x90000047  }
0x143: {  	s0 =	sadd.s32 @!p0 $0x100000, s1;
	[bflag:$0x2] =	sbarrier.arrive $0xFFFF  }
0x144: {  	[sflag:s0] =	ssyncadd.tile.s32 @!p0 $0x1;
	_ =	shalt  }
.Lfunc_end2:
_tile_overlayer_lowered:
.L_overlay_start_2:
0x145: {  	(tag) =	ssettag $0x2  }
0x146: {  	s0 =	rddreg [dreg:$0x0];
	s2 =	stileid.u32  }
0x147: {  	s1 =	rddreg [dreg:$0x1];
	p0 =	sne.s32 s2, $0x0  }
0x148: {  	s3 =	rddreg [dreg:$0x2];
	[bflag:$0x3] =	sbarrier.arrive $0xFFFF;
	s2 =	simm.s32 @!p0 $0x1C01  }
0x149: {  	[timem:s3], [sflag:s2] =	dma.local @!p0 [hbm:s0], s1  }
0x14a: {  	s0 =	simm.s32 @!p0 $0x1  }
0x14b: {  	_ =	swait.ge @!p0 [sflag:s0], s1  }
0x14c: {  	s1 =	ssub.s32 @!p0 $0x0, s1;
	[sflag:s0] =	ssyncset.done @!p0 $0x0  }
0x14d: {  	[sflag:s0] =	ssyncadd.s32 @!p0 s1  }
0x14e: {  	[bflag:$0x3] =	sbarrier.arrive $0xFFFF  }
0x14f: {  	_ =	shalt  }

</sc_bundles>
